<compile_context>
chip_gen: v7x
topology: tpu7x:2x2x1
jax: 0.10.2.dev20260603
libtpu: 0.0.44.dev20260713+nightly
codegen_flags: <defaults>
</compile_context>

<pallas_src>
import jax
import jax.numpy as jnp
from jax import lax
from jax.experimental import pallas as pl
from jax.experimental.pallas import tpu as pltpu
from jax.experimental.pallas import tpu_sc as plsc

N = 10000
D = 128
E = 320000
NC = 2
NS = 16
NTILES = NC * NS
RPT = 80
EPAD = NTILES * RPT * 128
NPAD = 10112
SLICE = NPAD // NS
PAD_BIN = N
DH = D // 2

_mesh = plsc.VectorSubcoreMesh(
    core_axis_name="c", subcore_axis_name="s", num_cores=NC, num_subcores=NS)


def _sc_degrees_body(src_hbm, dst_hbm, od_hbm, id_hbm,
                     idx_s, idx_d, ones_v, zer_v, sem_od, sem_id,
                     od_sh, id_sh):
    c = lax.axis_index("c")
    s = lax.axis_index("s")
    t = c * NS + s
    base = s * SLICE
    for i in range(8):
        ones_v[pl.ds(i * 16, 16)] = jnp.full((16,), 1.0, jnp.float32)

    def zv(i, carry):
        zer_v[pl.ds(i * 16, 16)] = jnp.zeros((16,), jnp.float32)
        return carry
    lax.fori_loop(0, 40, zv, 0)

    pltpu.sync_copy(zer_v.at[pl.ds(0, SLICE)], od_sh.at[pl.ds(base, SLICE)])
    pltpu.sync_copy(zer_v.at[pl.ds(0, SLICE)], id_sh.at[pl.ds(base, SLICE)])
    plsc.subcore_barrier()

    pltpu.sync_copy(src_hbm.at[pl.ds(t * RPT, RPT)], idx_s)
    pltpu.sync_copy(dst_hbm.at[pl.ds(t * RPT, RPT)], idx_d)

    def ebody(j, carry):
        pltpu.async_copy(ones_v, od_sh.at[idx_s.at[j]], sem_od, add=True)
        pltpu.async_copy(ones_v, id_sh.at[idx_d.at[j]], sem_id, add=True)
        return carry
    lax.fori_loop(0, RPT, ebody, 0)
    pltpu.make_async_copy(src_hbm.at[pl.ds(0, RPT)], idx_s, sem_od).wait()
    pltpu.make_async_copy(dst_hbm.at[pl.ds(0, RPT)], idx_d, sem_id).wait()
    plsc.subcore_barrier()

    pltpu.sync_copy(od_sh.at[pl.ds(base, SLICE)], zer_v.at[pl.ds(0, SLICE)])
    pltpu.sync_copy(zer_v.at[pl.ds(0, SLICE)],
                    od_hbm.at[pl.ds(c * NPAD + base, SLICE)])
    pltpu.sync_copy(id_sh.at[pl.ds(base, SLICE)], zer_v.at[pl.ds(0, SLICE)])
    pltpu.sync_copy(zer_v.at[pl.ds(0, SLICE)],
                    id_hbm.at[pl.ds(c * NPAD + base, SLICE)])


_sc_degrees = pl.kernel(
    _sc_degrees_body,
    out_type=[jax.ShapeDtypeStruct((NC * NPAD,), jnp.float32),
              jax.ShapeDtypeStruct((NC * NPAD,), jnp.float32)],
    mesh=_mesh,
    scratch_types=[
        pltpu.VMEM((RPT, 128), jnp.int32),
        pltpu.VMEM((RPT, 128), jnp.int32),
        pltpu.VMEM((128,), jnp.float32),
        pltpu.VMEM((640,), jnp.float32),
        pltpu.SemaphoreType.DMA,
        pltpu.SemaphoreType.DMA,
        pltpu.VMEM_SHARED((NPAD,), jnp.float32),
        pltpu.VMEM_SHARED((NPAD,), jnp.float32),
    ],
)


def _tc_prep_body(h_ref, od_ref, id_ref, hs_ref, iq_ref):
    odt = od_ref[...].T
    oisq = lax.rsqrt(jnp.maximum(odt[:, 0:1] + odt[:, 1:2], 1.0))
    idr = id_ref[...]
    iq_ref[...] = lax.rsqrt(jnp.maximum(idr[0:1, :] + idr[1:2, :], 1.0))
    hs_ref[0:N, :] = h_ref[...] * oisq[0:N, :]
    hs_ref[N:NPAD, :] = jnp.zeros((NPAD - N, D), jnp.float32)


_tc_prep = pl.pallas_call(
    _tc_prep_body,
    out_shape=[jax.ShapeDtypeStruct((NPAD, D), jnp.float32),
               jax.ShapeDtypeStruct((1, NPAD), jnp.float32)],
)


CHUNK = 40
NCHUNK = RPT // CHUNK
PAIRS = CHUNK // 2


def _sc_edge_body(src_hbm, dst_hbm, hs_hbm, iq_hbm,
                  g_hbm, c_hbm,
                  idx_s, idx_d, rows_a, rows_b, vals_a, vals_b, zer_v,
                  sem_ra, sem_rb, sem_va, sem_vb, g_sh, c_sh):
    c = lax.axis_index("c")
    s = lax.axis_index("s")
    t = c * NS + s
    base = s * SLICE

    def zero_rows_a(i, carry):
        for k in range(D // 16):
            rows_a[i, pl.ds(k * 16, 16)] = jnp.zeros((16,), jnp.float32)
        return carry

    def zv(i, carry):
        zer_v[pl.ds(i * 16, 16)] = jnp.zeros((16,), jnp.float32)
        return carry

    lax.fori_loop(0, 128, zero_rows_a, 0)
    lax.fori_loop(0, 40, zv, 0)
    for k in range(4):
        pltpu.sync_copy(rows_a, g_sh.at[pl.ds(base + k * 128, 128)])
    pltpu.sync_copy(rows_a.at[pl.ds(0, SLICE - 512)],
                    g_sh.at[pl.ds(base + 512, SLICE - 512)])
    pltpu.sync_copy(zer_v.at[pl.ds(0, SLICE)], c_sh.at[pl.ds(base, SLICE)])
    plsc.subcore_barrier()

    def fire(buf, vbuf, semr, semv, sg):
        pltpu.async_copy(hs_hbm.at[idx_s.at[sg]], buf, semr)
        pltpu.async_copy(iq_hbm.at[idx_d.at[sg]], vbuf, semv)

    def drain(buf, vbuf, semr, semv):
        pltpu.make_async_copy(hs_hbm.at[pl.ds(0, 128)], buf, semr).wait()
        pltpu.make_async_copy(iq_hbm.at[pl.ds(0, 128)], vbuf, semv).wait()

    def scatter(buf, vbuf, sg):
        pltpu.sync_copy(buf, g_sh.at[idx_d.at[sg]], add=True)
        pltpu.sync_copy(vbuf, c_sh.at[idx_s.at[sg]], add=True)

    for chunk in range(NCHUNK):
        pltpu.sync_copy(src_hbm.at[pl.ds(t * RPT + chunk * CHUNK, CHUNK)], idx_s)
        pltpu.sync_copy(dst_hbm.at[pl.ds(t * RPT + chunk * CHUNK, CHUNK)], idx_d)
        fire(rows_a, vals_a, sem_ra, sem_va, 0)

        def body(j, carry):
            fire(rows_b, vals_b, sem_rb, sem_vb, 2 * j + 1)
            drain(rows_a, vals_a, sem_ra, sem_va)
            scatter(rows_a, vals_a, 2 * j)

            @pl.when(j < PAIRS - 1)
            def _():
                fire(rows_a, vals_a, sem_ra, sem_va, 2 * j + 2)
            drain(rows_b, vals_b, sem_rb, sem_vb)
            scatter(rows_b, vals_b, 2 * j + 1)
            return carry
        lax.fori_loop(0, PAIRS, body, 0)
    plsc.subcore_barrier()

    pltpu.sync_copy(g_sh.at[pl.ds(base, SLICE)], g_hbm.at[c, pl.ds(base, SLICE)])
    pltpu.sync_copy(c_sh.at[pl.ds(base, SLICE)], zer_v.at[pl.ds(0, SLICE)])
    pltpu.sync_copy(zer_v.at[pl.ds(0, SLICE)],
                    c_hbm.at[pl.ds(c * NPAD + base, SLICE)])


_sc_edge = pl.kernel(
    _sc_edge_body,
    out_type=[jax.ShapeDtypeStruct((NC, NPAD, D), jnp.float32),
              jax.ShapeDtypeStruct((NC * NPAD,), jnp.float32)],
    mesh=_mesh,
    scratch_types=[
        pltpu.VMEM((CHUNK, 128), jnp.int32),
        pltpu.VMEM((CHUNK, 128), jnp.int32),
        pltpu.VMEM((128, D), jnp.float32),
        pltpu.VMEM((128, D), jnp.float32),
        pltpu.VMEM((128,), jnp.float32),
        pltpu.VMEM((128,), jnp.float32),
        pltpu.VMEM((640,), jnp.float32),
        pltpu.SemaphoreType.DMA,
        pltpu.SemaphoreType.DMA,
        pltpu.SemaphoreType.DMA,
        pltpu.SemaphoreType.DMA,
        pltpu.VMEM_SHARED((NPAD, D), jnp.float32),
        pltpu.VMEM_SHARED((NPAD,), jnp.float32),
    ],
    compiler_params=pltpu.CompilerParams(use_tc_tiling_on_sc=False),
)


def _tc_final_body(gp_ref, cp_ref, od_ref, id_ref, W1_ref, W2_ref,
                   Wc_ref, b1_ref, b2_ref, bc_ref, perm_ref, out_ref):
    g = gp_ref[0] + gp_ref[1]
    idt = id_ref[...].T
    iisq = lax.rsqrt(jnp.maximum(idt[:, 0:1] + idt[:, 1:2], 1.0))
    odr = od_ref[...]
    oisq = lax.rsqrt(jnp.maximum(odr[0:1, :] + odr[1:2, :], 1.0))
    crow = cp_ref[0:1, :] + cp_ref[1:2, :]
    node_mask = lax.broadcasted_iota(jnp.int32, (1, NPAD), 1) < N
    w = jnp.where(node_mask, crow * oisq, 0.0)

    z = jnp.dot(g, W1_ref[...], preferred_element_type=jnp.float32)
    h1 = jnp.maximum(z * iisq + b1_ref[...], 0.0)
    sv = jnp.dot(w, h1, preferred_element_type=jnp.float32)
    mh2 = jnp.dot(sv, W2_ref[...], preferred_element_type=jnp.float32) * (1.0 / N) + b2_ref[...]
    logits = (jnp.dot(mh2, Wc_ref[0:D, :], preferred_element_type=jnp.float32)
              + jnp.dot(perm_ref[...], Wc_ref[D:D + 16, :], preferred_element_type=jnp.float32)
              + bc_ref[...])
    out_ref[...] = logits


def _tc_final(gp, cp, odp, idp, W1, W2, Wc, b1, b2, bc, perm):
    nclass = bc.shape[1]
    return pl.pallas_call(
        _tc_final_body,
        out_shape=jax.ShapeDtypeStruct((1, nclass), jnp.float32),
    )(gp, cp, odp, idp, W1, W2, Wc, b1, b2, bc, perm)


def kernel(h, edge_index, perm_features, W1, b1, W2, b2, Wc, bc):
    src = edge_index[0].astype(jnp.int32)
    dst = edge_index[1].astype(jnp.int32)
    pad = PAD_BIN + (jnp.arange(EPAD - E, dtype=jnp.int32) % (NPAD - N))
    src_p = jnp.concatenate([src, pad]).reshape(NTILES * RPT, 128)
    dst_p = jnp.concatenate([dst, pad]).reshape(NTILES * RPT, 128)

    od_f, id_f = _sc_degrees(src_p, dst_p)
    od_p = od_f.reshape(NC, NPAD)
    id_p = id_f.reshape(NC, NPAD)
    hst, iq = _tc_prep(h, od_p, id_p)
    g_p, c_f = _sc_edge(src_p, dst_p, hst, iq.reshape(NPAD))
    c_p = c_f.reshape(NC, NPAD)
    return _tc_final(g_p, c_p, od_p, id_p, W1, W2, Wc,
                     b1.reshape(1, D), b2.reshape(1, D),
                     bc.reshape(1, -1), perm_features)

# --- scband reference (transcript-rebuilt; emitter-appended) ---
"""Pipeline reference for scband-gcnmodel-42863773614468 (READ-ONLY COPY).

The authoritative reference and input builder live on the scoring server;
editing this copy changes nothing except your own understanding.
"""

import jax, jax.numpy as jnp
import numpy as np

N_NODES = 10000
N_EDGES = 320000
IN_DIM = 128
HID_DIM = 128
NUM_CLASSES = 10
PERM_LEN = 16


def setup_inputs(seed: int = 0) -> dict:
    key = jax.random.key(seed)
    ks = jax.random.split(key, 10)
    h = jax.random.normal(ks[0], (N_NODES, IN_DIM), dtype=jnp.float32)
    edge_index = jax.random.randint(ks[1], (2, N_EDGES), 0, N_NODES, dtype=jnp.int64 if jax.config.jax_enable_x64 else jnp.int32).astype(jnp.int32)
    perm_features = jax.random.normal(ks[2], (1, PERM_LEN), dtype=jnp.float32)
    s1 = 1.0 / np.sqrt(IN_DIM)
    s2 = 1.0 / np.sqrt(HID_DIM)
    sc = 1.0 / np.sqrt(HID_DIM + PERM_LEN)
    W1 = jax.random.uniform(ks[3], (IN_DIM, HID_DIM), minval=-s1, maxval=s1, dtype=jnp.float32)
    b1 = jnp.zeros((HID_DIM,), dtype=jnp.float32)
    W2 = jax.random.uniform(ks[4], (HID_DIM, HID_DIM), minval=-s2, maxval=s2, dtype=jnp.float32)
    b2 = jnp.zeros((HID_DIM,), dtype=jnp.float32)
    Wc = jax.random.uniform(ks[5], (HID_DIM + PERM_LEN, NUM_CLASSES), minval=-sc, maxval=sc, dtype=jnp.float32)
    bc = jax.random.uniform(ks[6], (NUM_CLASSES,), minval=-sc, maxval=sc, dtype=jnp.float32)
    return {"h": h, "edge_index": edge_index, "perm_features": perm_features,
            "W1": W1, "b1": b1, "W2": W2, "b2": b2, "Wc": Wc, "bc": bc}


def _graph_conv(x, src, dst, out_deg_isqrt, in_deg_isqrt, W, b):
    # DGL GraphConv, norm='both': D_dst^{-1/2} A D_src^{-1/2} X W + b
    xw = x @ W
    msg = xw * out_deg_isqrt[:, None]
    agg = jax.ops.segment_sum(msg[src], dst, num_segments=x.shape[0])
    return agg * in_deg_isqrt[:, None] + b


def reference(h, edge_index, perm_features, W1, b1, W2, b2, Wc, bc):
    src = edge_index[0]
    dst = edge_index[1]
    n = h.shape[0]
    ones_e = jnp.ones((src.shape[0],), dtype=jnp.float32)
    out_deg = jnp.clip(jax.ops.segment_sum(ones_e, src, num_segments=n), 1.0, None)
    in_deg = jnp.clip(jax.ops.segment_sum(ones_e, dst, num_segments=n), 1.0, None)
    out_deg_isqrt = out_deg ** -0.5
    in_deg_isqrt = in_deg ** -0.5
    h1 = _graph_conv(h, src, dst, out_deg_isqrt, in_deg_isqrt, W1, b1)
    h1 = jax.nn.relu(h1)
    h2 = _graph_conv(h1, src, dst, out_deg_isqrt, in_deg_isqrt, W2, b2)
    hg = jnp.mean(h2, axis=0, keepdims=True)  # dgl.mean_nodes, single graph
    combined = jnp.concatenate([hg, perm_features], axis=1)
    return combined @ Wc + bc

if __name__ == "__main__":
    import jax
    _d = setup_inputs()
    print(jax.jit(kernel)(*tuple(_d.values())))

</pallas_src>

<mosaic_0001>
#map = affine_map<(d0, d1) -> (0, 0)>
#map1 = affine_map<(d0, d1) -> (0)>
module attributes {stable_mosaic.version = 14 : i64} {
  func.func @_sc_degrees_body(%arg0: i32, %arg1: i32, %arg2: memref<2560x128xi32, #tpu.memory_space<hbm>>, %arg3: memref<2560x128xi32, #tpu.memory_space<hbm>>, %arg4: memref<20224xf32, #tpu.memory_space<hbm>>, %arg5: memref<20224xf32, #tpu.memory_space<hbm>>, %arg6: memref<80x128xi32, #tpu.memory_space<vmem>>, %arg7: memref<80x128xi32, #tpu.memory_space<vmem>>, %arg8: memref<128xf32, #tpu.memory_space<vmem>>, %arg9: memref<640xf32, #tpu.memory_space<vmem>>, %arg10: memref<!tpu.dma_semaphore, #tpu.memory_space<semaphore_mem>>, %arg11: memref<!tpu.dma_semaphore, #tpu.memory_space<semaphore_mem>>, %arg12: memref<10112xf32, #tpu.memory_space<vmem_shared>>, %arg13: memref<10112xf32, #tpu.memory_space<vmem_shared>>) attributes {dimension_semantics = [#tpu.dimension_semantics<core_parallel>, #tpu.dimension_semantics<subcore_parallel>], iteration_bounds = array<i64: 2, 16>, scalar_prefetch = 0 : i64, scratch_operands = 8 : i64, tpu.core_type = #tpu.core_type<sc_vector_subcore>, window_params = [{transform_indices = #map}, {transform_indices = #map}, {transform_indices = #map1}, {transform_indices = #map1}]} {
    %mul3A = arith.constant 16 : i32
    %mul3A_0 = arith.muli %arg0, %mul3A : i32
    %add3A = arith.addi %mul3A_0, %arg1 : i32
    %mul3A_1 = arith.constant 632 : i32
    %mul3A_2 = arith.muli %arg1, %mul3A_1 : i32
    %broadcast_in_dim3A = arith.constant 1.000000e+00 : f32
    %broadcast_in_dim3A_3 = vector.broadcast %broadcast_in_dim3A : f32 to vector<16xf32>
    %swap3A = arith.constant 0 : index
    %swap3A_4 = tpu.vector_load %arg8[%swap3A] {strides = array<i32>} : memref<128xf32, #tpu.memory_space<vmem>>, vector<16xf32>,
    %swap3A_5 = vector.shape_cast %swap3A_4 : vector<16xf32> to vector<16xf32>
    %swap3A_6 = vector.shape_cast %broadcast_in_dim3A_3 : vector<16xf32> to vector<16xf32>
    tpu.vector_store %arg8[%swap3A], %swap3A_6 {strides = array<i32>} : memref<128xf32, #tpu.memory_space<vmem>>, vector<16xf32>,
    %broadcast_in_dim3A_7 = arith.constant 1.000000e+00 : f32
    %broadcast_in_dim3A_8 = vector.broadcast %broadcast_in_dim3A_7 : f32 to vector<16xf32>
    %swap3A_9 = arith.constant 16 : index
    %swap3A_10 = tpu.vector_load %arg8[%swap3A_9] {strides = array<i32>} : memref<128xf32, #tpu.memory_space<vmem>>, vector<16xf32>,
    %swap3A_11 = vector.shape_cast %swap3A_10 : vector<16xf32> to vector<16xf32>
    %swap3A_12 = vector.shape_cast %broadcast_in_dim3A_8 : vector<16xf32> to vector<16xf32>
    tpu.vector_store %arg8[%swap3A_9], %swap3A_12 {strides = array<i32>} : memref<128xf32, #tpu.memory_space<vmem>>, vector<16xf32>,
    %broadcast_in_dim3A_13 = arith.constant 1.000000e+00 : f32
    %broadcast_in_dim3A_14 = vector.broadcast %broadcast_in_dim3A_13 : f32 to vector<16xf32>
    %swap3A_15 = arith.constant 32 : index
    %swap3A_16 = tpu.vector_load %arg8[%swap3A_15] {strides = array<i32>} : memref<128xf32, #tpu.memory_space<vmem>>, vector<16xf32>,
    %swap3A_17 = vector.shape_cast %swap3A_16 : vector<16xf32> to vector<16xf32>
    %swap3A_18 = vector.shape_cast %broadcast_in_dim3A_14 : vector<16xf32> to vector<16xf32>
    tpu.vector_store %arg8[%swap3A_15], %swap3A_18 {strides = array<i32>} : memref<128xf32, #tpu.memory_space<vmem>>, vector<16xf32>,
    %broadcast_in_dim3A_19 = arith.constant 1.000000e+00 : f32
    %broadcast_in_dim3A_20 = vector.broadcast %broadcast_in_dim3A_19 : f32 to vector<16xf32>
    %swap3A_21 = arith.constant 48 : index
    %swap3A_22 = tpu.vector_load %arg8[%swap3A_21] {strides = array<i32>} : memref<128xf32, #tpu.memory_space<vmem>>, vector<16xf32>,
    %swap3A_23 = vector.shape_cast %swap3A_22 : vector<16xf32> to vector<16xf32>
    %swap3A_24 = vector.shape_cast %broadcast_in_dim3A_20 : vector<16xf32> to vector<16xf32>
    tpu.vector_store %arg8[%swap3A_21], %swap3A_24 {strides = array<i32>} : memref<128xf32, #tpu.memory_space<vmem>>, vector<16xf32>,
    %broadcast_in_dim3A_25 = arith.constant 1.000000e+00 : f32
    %broadcast_in_dim3A_26 = vector.broadcast %broadcast_in_dim3A_25 : f32 to vector<16xf32>
    %swap3A_27 = arith.constant 64 : index
    %swap3A_28 = tpu.vector_load %arg8[%swap3A_27] {strides = array<i32>} : memref<128xf32, #tpu.memory_space<vmem>>, vector<16xf32>,
    %swap3A_29 = vector.shape_cast %swap3A_28 : vector<16xf32> to vector<16xf32>
    %swap3A_30 = vector.shape_cast %broadcast_in_dim3A_26 : vector<16xf32> to vector<16xf32>
    tpu.vector_store %arg8[%swap3A_27], %swap3A_30 {strides = array<i32>} : memref<128xf32, #tpu.memory_space<vmem>>, vector<16xf32>,
    %broadcast_in_dim3A_31 = arith.constant 1.000000e+00 : f32
    %broadcast_in_dim3A_32 = vector.broadcast %broadcast_in_dim3A_31 : f32 to vector<16xf32>
    %swap3A_33 = arith.constant 80 : index
    %swap3A_34 = tpu.vector_load %arg8[%swap3A_33] {strides = array<i32>} : memref<128xf32, #tpu.memory_space<vmem>>, vector<16xf32>,
    %swap3A_35 = vector.shape_cast %swap3A_34 : vector<16xf32> to vector<16xf32>
    %swap3A_36 = vector.shape_cast %broadcast_in_dim3A_32 : vector<16xf32> to vector<16xf32>
    tpu.vector_store %arg8[%swap3A_33], %swap3A_36 {strides = array<i32>} : memref<128xf32, #tpu.memory_space<vmem>>, vector<16xf32>,
    %broadcast_in_dim3A_37 = arith.constant 1.000000e+00 : f32
    %broadcast_in_dim3A_38 = vector.broadcast %broadcast_in_dim3A_37 : f32 to vector<16xf32>
    %swap3A_39 = arith.constant 96 : index
    %swap3A_40 = tpu.vector_load %arg8[%swap3A_39] {strides = array<i32>} : memref<128xf32, #tpu.memory_space<vmem>>, vector<16xf32>,
    %swap3A_41 = vector.shape_cast %swap3A_40 : vector<16xf32> to vector<16xf32>
    %swap3A_42 = vector.shape_cast %broadcast_in_dim3A_38 : vector<16xf32> to vector<16xf32>
    tpu.vector_store %arg8[%swap3A_39], %swap3A_42 {strides = array<i32>} : memref<128xf32, #tpu.memory_space<vmem>>, vector<16xf32>,
    %broadcast_in_dim3A_43 = arith.constant 1.000000e+00 : f32
    %broadcast_in_dim3A_44 = vector.broadcast %broadcast_in_dim3A_43 : f32 to vector<16xf32>
    %swap3A_45 = arith.constant 112 : index
    %swap3A_46 = tpu.vector_load %arg8[%swap3A_45] {strides = array<i32>} : memref<128xf32, #tpu.memory_space<vmem>>, vector<16xf32>,
    %swap3A_47 = vector.shape_cast %swap3A_46 : vector<16xf32> to vector<16xf32>
    %swap3A_48 = vector.shape_cast %broadcast_in_dim3A_44 : vector<16xf32> to vector<16xf32>
    tpu.vector_store %arg8[%swap3A_45], %swap3A_48 {strides = array<i32>} : memref<128xf32, #tpu.memory_space<vmem>>, vector<16xf32>,
    %scan3A = arith.constant 0 : i32
    %scan3A_49 = arith.constant 0 : i32
    %scan3A_50 = arith.constant 40 : i32
    %scan3A_51 = arith.addi %scan3A_49, %scan3A_50 : i32
    %scan3A_52 = arith.constant 1 : i32
    scf.for %scan3A_82 = %scan3A_49 to %scan3A_51 step %scan3A_52  : i32 {
      %broadcast_in_dim3A_83 = arith.constant 0.000000e+00 : f32
      %broadcast_in_dim3A_84 = vector.broadcast %broadcast_in_dim3A_83 : f32 to vector<16xf32>
      %mul3A_85 = arith.constant 16 : i32
      %mul3A_86 = arith.muli %scan3A_82, %mul3A_85 : i32
      %swap3A_87 = arith.index_cast %mul3A_86 : i32 to index
      %swap3A_88 = tpu.vector_load %arg9[%swap3A_87] {strides = array<i32>} : memref<640xf32, #tpu.memory_space<vmem>>, vector<16xf32>,
      %swap3A_89 = vector.shape_cast %swap3A_88 : vector<16xf32> to vector<16xf32>
      %swap3A_90 = vector.shape_cast %broadcast_in_dim3A_84 : vector<16xf32> to vector<16xf32>
      tpu.vector_store %arg9[%swap3A_87], %swap3A_90 {strides = array<i32>} : memref<640xf32, #tpu.memory_space<vmem>>, vector<16xf32>,
    }
    %scan3A_53 = arith.constant 40 : i32
    "tpu.region"() ({
      %run_scoped3A = tpu.sem_alloc : memref<!tpu.dma_semaphore, #tpu.memory_space<semaphore_mem>>
      %dma_start3A = arith.constant 0 : i32
      %dma_start3A_82 = tpu.memref_slice %arg9[%dma_start3A] : memref<640xf32, #tpu.memory_space<vmem>> -> memref<632xf32, #tpu.memory_space<vmem>>
      %dma_start3A_83 = tpu.memref_slice %arg12[%mul3A_2] : memref<10112xf32, #tpu.memory_space<vmem_shared>> -> memref<632xf32, #tpu.memory_space<vmem_shared>>
      %dma_start3A_84 = tpu.memref_slice %arg12[%mul3A_2] : memref<10112xf32, #tpu.memory_space<vmem_shared>> -> memref<632xf32, #tpu.memory_space<vmem_shared>>
      %dma_start3A_85 = arith.constant 0 : i32
      %dma_start3A_86 = tpu.memref_slice %arg9[%dma_start3A_85] : memref<640xf32, #tpu.memory_space<vmem>> -> memref<632xf32, #tpu.memory_space<vmem>>
      tpu.enqueue_dma source(%dma_start3A_86 : memref<632xf32, #tpu.memory_space<vmem>>) target(%dma_start3A_84 : memref<632xf32, #tpu.memory_space<vmem_shared>>) target_semaphore(%run_scoped3A : memref<!tpu.dma_semaphore, #tpu.memory_space<semaphore_mem>>)
      %dma_wait3A_87 = arith.constant 0 : i32
      %dma_wait3A_88 = tpu.memref_slice %arg9[%dma_wait3A_87] : memref<640xf32, #tpu.memory_space<vmem>> -> memref<632xf32, #tpu.memory_space<vmem>>
      %dma_wait3A_89 = tpu.memref_slice %arg12[%mul3A_2] : memref<10112xf32, #tpu.memory_space<vmem_shared>> -> memref<632xf32, #tpu.memory_space<vmem_shared>>
      %dma_wait3A_90 = tpu.memref_slice %arg12[%mul3A_2] : memref<10112xf32, #tpu.memory_space<vmem_shared>> -> memref<632xf32, #tpu.memory_space<vmem_shared>>
      %dma_wait3A_91 = arith.constant 0 : i32
      %dma_wait3A_92 = tpu.memref_slice %arg9[%dma_wait3A_91] : memref<640xf32, #tpu.memory_space<vmem>> -> memref<632xf32, #tpu.memory_space<vmem>>
      tpu.wait_dma2 semaphore(%run_scoped3A : memref<!tpu.dma_semaphore, #tpu.memory_space<semaphore_mem>>) src(%dma_wait3A_92 : memref<632xf32, #tpu.memory_space<vmem>>) dst(%dma_wait3A_90 : memref<632xf32, #tpu.memory_space<vmem_shared>>)
      tpu.yield
    }) : () -> ()
    "tpu.region"() ({
      %run_scoped3A = tpu.sem_alloc : memref<!tpu.dma_semaphore, #tpu.memory_space<semaphore_mem>>
      %dma_start3A = arith.constant 0 : i32
      %dma_start3A_82 = tpu.memref_slice %arg9[%dma_start3A] : memref<640xf32, #tpu.memory_space<vmem>> -> memref<632xf32, #tpu.memory_space<vmem>>
      %dma_start3A_83 = tpu.memref_slice %arg13[%mul3A_2] : memref<10112xf32, #tpu.memory_space<vmem_shared>> -> memref<632xf32, #tpu.memory_space<vmem_shared>>
      %dma_start3A_84 = tpu.memref_slice %arg13[%mul3A_2] : memref<10112xf32, #tpu.memory_space<vmem_shared>> -> memref<632xf32, #tpu.memory_space<vmem_shared>>
      %dma_start3A_85 = arith.constant 0 : i32
      %dma_start3A_86 = tpu.memref_slice %arg9[%dma_start3A_85] : memref<640xf32, #tpu.memory_space<vmem>> -> memref<632xf32, #tpu.memory_space<vmem>>
      tpu.enqueue_dma source(%dma_start3A_86 : memref<632xf32, #tpu.memory_space<vmem>>) target(%dma_start3A_84 : memref<632xf32, #tpu.memory_space<vmem_shared>>) target_semaphore(%run_scoped3A : memref<!tpu.dma_semaphore, #tpu.memory_space<semaphore_mem>>)
      %dma_wait3A_87 = arith.constant 0 : i32
      %dma_wait3A_88 = tpu.memref_slice %arg9[%dma_wait3A_87] : memref<640xf32, #tpu.memory_space<vmem>> -> memref<632xf32, #tpu.memory_space<vmem>>
      %dma_wait3A_89 = tpu.memref_slice %arg13[%mul3A_2] : memref<10112xf32, #tpu.memory_space<vmem_shared>> -> memref<632xf32, #tpu.memory_space<vmem_shared>>
      %dma_wait3A_90 = tpu.memref_slice %arg13[%mul3A_2] : memref<10112xf32, #tpu.memory_space<vmem_shared>> -> memref<632xf32, #tpu.memory_space<vmem_shared>>
      %dma_wait3A_91 = arith.constant 0 : i32
      %dma_wait3A_92 = tpu.memref_slice %arg9[%dma_wait3A_91] : memref<640xf32, #tpu.memory_space<vmem>> -> memref<632xf32, #tpu.memory_space<vmem>>
      tpu.wait_dma2 semaphore(%run_scoped3A : memref<!tpu.dma_semaphore, #tpu.memory_space<semaphore_mem>>) src(%dma_wait3A_92 : memref<632xf32, #tpu.memory_space<vmem>>) dst(%dma_wait3A_90 : memref<632xf32, #tpu.memory_space<vmem_shared>>)
      tpu.yield
    }) : () -> ()
    %barrier3A = arith.constant 0 : index
    tpu.barrier barrier_id(%barrier3A)
    %mul3A_54 = arith.constant 80 : i32
    %mul3A_55 = arith.muli %add3A, %mul3A_54 : i32
    "tpu.region"() ({
      %run_scoped3A = tpu.sem_alloc : memref<!tpu.dma_semaphore, #tpu.memory_space<semaphore_mem>>
      %dma_start3A = arith.constant 0 : i32
      %dma_start3A_82 = tpu.memref_slice %arg2[%mul3A_55, %dma_start3A] : memref<2560x128xi32, #tpu.memory_space<hbm>> -> memref<80x128xi32, #tpu.memory_space<hbm>>
      %dma_start3A_83 = arith.constant 0 : i32
      %dma_start3A_84 = tpu.memref_slice %arg2[%mul3A_55, %dma_start3A_83] : memref<2560x128xi32, #tpu.memory_space<hbm>> -> memref<80x128xi32, #tpu.memory_space<hbm>>
      tpu.enqueue_dma source(%dma_start3A_84 : memref<80x128xi32, #tpu.memory_space<hbm>>) target(%arg6 : memref<80x128xi32, #tpu.memory_space<vmem>>) target_semaphore(%run_scoped3A : memref<!tpu.dma_semaphore, #tpu.memory_space<semaphore_mem>>)
      %dma_wait3A_85 = arith.constant 0 : i32
      %dma_wait3A_86 = tpu.memref_slice %arg2[%mul3A_55, %dma_wait3A_85] : memref<2560x128xi32, #tpu.memory_space<hbm>> -> memref<80x128xi32, #tpu.memory_space<hbm>>
      %dma_wait3A_87 = arith.constant 0 : i32
      %dma_wait3A_88 = tpu.memref_slice %arg2[%mul3A_55, %dma_wait3A_87] : memref<2560x128xi32, #tpu.memory_space<hbm>> -> memref<80x128xi32, #tpu.memory_space<hbm>>
      tpu.wait_dma2 semaphore(%run_scoped3A : memref<!tpu.dma_semaphore, #tpu.memory_space<semaphore_mem>>) src(%dma_wait3A_88 : memref<80x128xi32, #tpu.memory_space<hbm>>) dst(%arg6 : memref<80x128xi32, #tpu.memory_space<vmem>>)
      tpu.yield
    }) : () -> ()
    %mul3A_56 = arith.constant 80 : i32
    %mul3A_57 = arith.muli %add3A, %mul3A_56 : i32
    "tpu.region"() ({
      %run_scoped3A = tpu.sem_alloc : memref<!tpu.dma_semaphore, #tpu.memory_space<semaphore_mem>>
      %dma_start3A = arith.constant 0 : i32
      %dma_start3A_82 = tpu.memref_slice %arg3[%mul3A_57, %dma_start3A] : memref<2560x128xi32, #tpu.memory_space<hbm>> -> memref<80x128xi32, #tpu.memory_space<hbm>>
      %dma_start3A_83 = arith.constant 0 : i32
      %dma_start3A_84 = tpu.memref_slice %arg3[%mul3A_57, %dma_start3A_83] : memref<2560x128xi32, #tpu.memory_space<hbm>> -> memref<80x128xi32, #tpu.memory_space<hbm>>
      tpu.enqueue_dma source(%dma_start3A_84 : memref<80x128xi32, #tpu.memory_space<hbm>>) target(%arg7 : memref<80x128xi32, #tpu.memory_space<vmem>>) target_semaphore(%run_scoped3A : memref<!tpu.dma_semaphore, #tpu.memory_space<semaphore_mem>>)
      %dma_wait3A_85 = arith.constant 0 : i32
      %dma_wait3A_86 = tpu.memref_slice %arg3[%mul3A_57, %dma_wait3A_85] : memref<2560x128xi32, #tpu.memory_space<hbm>> -> memref<80x128xi32, #tpu.memory_space<hbm>>
      %dma_wait3A_87 = arith.constant 0 : i32
      %dma_wait3A_88 = tpu.memref_slice %arg3[%mul3A_57, %dma_wait3A_87] : memref<2560x128xi32, #tpu.memory_space<hbm>> -> memref<80x128xi32, #tpu.memory_space<hbm>>
      tpu.wait_dma2 semaphore(%run_scoped3A : memref<!tpu.dma_semaphore, #tpu.memory_space<semaphore_mem>>) src(%dma_wait3A_88 : memref<80x128xi32, #tpu.memory_space<hbm>>) dst(%arg7 : memref<80x128xi32, #tpu.memory_space<vmem>>)
      tpu.yield
    }) : () -> ()
    %scan3A_58 = arith.constant 0 : i32
    %scan3A_59 = arith.constant 0 : i32
    %scan3A_60 = arith.constant 80 : i32
    %scan3A_61 = arith.addi %scan3A_59, %scan3A_60 : i32
    %scan3A_62 = arith.constant 1 : i32
    scf.for %scan3A_82 = %scan3A_59 to %scan3A_61 step %scan3A_62  : i32 {
      %dma_start3A = arith.constant 0 : i32
      %dma_start3A_83 = tpu.memref_slice %arg6[%scan3A_82, %dma_start3A] : memref<80x128xi32, #tpu.memory_space<vmem>> -> memref<1x128xi32, #tpu.memory_space<vmem>>
      %dma_start3A_84 = tpu.memref_squeeze %dma_start3A_83 : memref<1x128xi32, #tpu.memory_space<vmem>> -> memref<128xi32, #tpu.memory_space<vmem>>
      %dma_start3A_85 = arith.constant 0 : i32
      %dma_start3A_86 = tpu.memref_slice %arg12[%dma_start3A_85] : memref<10112xf32, #tpu.memory_space<vmem_shared>> -> memref<10112xf32, #tpu.memory_space<vmem_shared>>
      tpu.enqueue_indirect_dma source(%arg8 : memref<128xf32, #tpu.memory_space<vmem>>) target(%dma_start3A_86 : memref<10112xf32, #tpu.memory_space<vmem_shared>>) offsets(%dma_start3A_84 : memref<128xi32, #tpu.memory_space<vmem>>) semaphore(%arg10 : memref<!tpu.dma_semaphore, #tpu.memory_space<semaphore_mem>>) {add = true}
      %dma_start3A_87 = arith.constant 0 : i32
      %dma_start3A_88 = tpu.memref_slice %arg7[%scan3A_82, %dma_start3A_87] : memref<80x128xi32, #tpu.memory_space<vmem>> -> memref<1x128xi32, #tpu.memory_space<vmem>>
      %dma_start3A_89 = tpu.memref_squeeze %dma_start3A_88 : memref<1x128xi32, #tpu.memory_space<vmem>> -> memref<128xi32, #tpu.memory_space<vmem>>
      %dma_start3A_90 = arith.constant 0 : i32
      %dma_start3A_91 = tpu.memref_slice %arg13[%dma_start3A_90] : memref<10112xf32, #tpu.memory_space<vmem_shared>> -> memref<10112xf32, #tpu.memory_space<vmem_shared>>
      tpu.enqueue_indirect_dma source(%arg8 : memref<128xf32, #tpu.memory_space<vmem>>) target(%dma_start3A_91 : memref<10112xf32, #tpu.memory_space<vmem_shared>>) offsets(%dma_start3A_89 : memref<128xi32, #tpu.memory_space<vmem>>) semaphore(%arg11 : memref<!tpu.dma_semaphore, #tpu.memory_space<semaphore_mem>>) {add = true}
    }
    %scan3A_63 = arith.constant 80 : i32
    %dma_wait3A = arith.constant 0 : i32
    %dma_wait3A_64 = arith.constant 0 : i32
    %dma_wait3A_65 = tpu.memref_slice %arg2[%dma_wait3A, %dma_wait3A_64] : memref<2560x128xi32, #tpu.memory_space<hbm>> -> memref<80x128xi32, #tpu.memory_space<hbm>>
    %dma_wait3A_66 = arith.constant 0 : i32
    %dma_wait3A_67 = arith.constant 0 : i32
    %dma_wait3A_68 = tpu.memref_slice %arg2[%dma_wait3A_66, %dma_wait3A_67] : memref<2560x128xi32, #tpu.memory_space<hbm>> -> memref<80x128xi32, #tpu.memory_space<hbm>>
    tpu.wait_dma2 semaphore(%arg10 : memref<!tpu.dma_semaphore, #tpu.memory_space<semaphore_mem>>) src(%dma_wait3A_68 : memref<80x128xi32, #tpu.memory_space<hbm>>) dst(%arg6 : memref<80x128xi32, #tpu.memory_space<vmem>>)
    %dma_wait3A_69 = arith.constant 0 : i32
    %dma_wait3A_70 = arith.constant 0 : i32
    %dma_wait3A_71 = tpu.memref_slice %arg3[%dma_wait3A_69, %dma_wait3A_70] : memref<2560x128xi32, #tpu.memory_space<hbm>> -> memref<80x128xi32, #tpu.memory_space<hbm>>
    %dma_wait3A_72 = arith.constant 0 : i32
    %dma_wait3A_73 = arith.constant 0 : i32
    %dma_wait3A_74 = tpu.memref_slice %arg3[%dma_wait3A_72, %dma_wait3A_73] : memref<2560x128xi32, #tpu.memory_space<hbm>> -> memref<80x128xi32, #tpu.memory_space<hbm>>
    tpu.wait_dma2 semaphore(%arg11 : memref<!tpu.dma_semaphore, #tpu.memory_space<semaphore_mem>>) src(%dma_wait3A_74 : memref<80x128xi32, #tpu.memory_space<hbm>>) dst(%arg7 : memref<80x128xi32, #tpu.memory_space<vmem>>)
    %barrier3A_75 = arith.constant 0 : index
    tpu.barrier barrier_id(%barrier3A_75)
    "tpu.region"() ({
      %run_scoped3A = tpu.sem_alloc : memref<!tpu.dma_semaphore, #tpu.memory_space<semaphore_mem>>
      %dma_start3A = arith.constant 0 : i32
      %dma_start3A_82 = tpu.memref_slice %arg9[%dma_start3A] : memref<640xf32, #tpu.memory_space<vmem>> -> memref<632xf32, #tpu.memory_space<vmem>>
      %dma_start3A_83 = tpu.memref_slice %arg12[%mul3A_2] : memref<10112xf32, #tpu.memory_space<vmem_shared>> -> memref<632xf32, #tpu.memory_space<vmem_shared>>
      %dma_start3A_84 = arith.constant 0 : i32
      %dma_start3A_85 = tpu.memref_slice %arg9[%dma_start3A_84] : memref<640xf32, #tpu.memory_space<vmem>> -> memref<632xf32, #tpu.memory_space<vmem>>
      %dma_start3A_86 = tpu.memref_slice %arg12[%mul3A_2] : memref<10112xf32, #tpu.memory_space<vmem_shared>> -> memref<632xf32, #tpu.memory_space<vmem_shared>>
      tpu.enqueue_dma source(%dma_start3A_86 : memref<632xf32, #tpu.memory_space<vmem_shared>>) target(%dma_start3A_85 : memref<632xf32, #tpu.memory_space<vmem>>) target_semaphore(%run_scoped3A : memref<!tpu.dma_semaphore, #tpu.memory_space<semaphore_mem>>)
      %dma_wait3A_87 = arith.constant 0 : i32
      %dma_wait3A_88 = tpu.memref_slice %arg9[%dma_wait3A_87] : memref<640xf32, #tpu.memory_space<vmem>> -> memref<632xf32, #tpu.memory_space<vmem>>
      %dma_wait3A_89 = tpu.memref_slice %arg12[%mul3A_2] : memref<10112xf32, #tpu.memory_space<vmem_shared>> -> memref<632xf32, #tpu.memory_space<vmem_shared>>
      %dma_wait3A_90 = arith.constant 0 : i32
      %dma_wait3A_91 = tpu.memref_slice %arg9[%dma_wait3A_90] : memref<640xf32, #tpu.memory_space<vmem>> -> memref<632xf32, #tpu.memory_space<vmem>>
      %dma_wait3A_92 = tpu.memref_slice %arg12[%mul3A_2] : memref<10112xf32, #tpu.memory_space<vmem_shared>> -> memref<632xf32, #tpu.memory_space<vmem_shared>>
      tpu.wait_dma2 semaphore(%run_scoped3A : memref<!tpu.dma_semaphore, #tpu.memory_space<semaphore_mem>>) src(%dma_wait3A_92 : memref<632xf32, #tpu.memory_space<vmem_shared>>) dst(%dma_wait3A_91 : memref<632xf32, #tpu.memory_space<vmem>>)
      tpu.yield
    }) : () -> ()
    %mul3A_76 = arith.constant 10112 : i32
    %mul3A_77 = arith.muli %arg0, %mul3A_76 : i32
    %add3A_78 = arith.addi %mul3A_77, %mul3A_2 : i32
    "tpu.region"() ({
      %run_scoped3A = tpu.sem_alloc : memref<!tpu.dma_semaphore, #tpu.memory_space<semaphore_mem>>
      %dma_start3A = arith.constant 0 : i32
      %dma_start3A_82 = tpu.memref_slice %arg9[%dma_start3A] : memref<640xf32, #tpu.memory_space<vmem>> -> memref<632xf32, #tpu.memory_space<vmem>>
      %dma_start3A_83 = tpu.memref_slice %arg4[%add3A_78] : memref<20224xf32, #tpu.memory_space<hbm>> -> memref<632xf32, #tpu.memory_space<hbm>>
      %dma_start3A_84 = tpu.memref_slice %arg4[%add3A_78] : memref<20224xf32, #tpu.memory_space<hbm>> -> memref<632xf32, #tpu.memory_space<hbm>>
      %dma_start3A_85 = arith.constant 0 : i32
      %dma_start3A_86 = tpu.memref_slice %arg9[%dma_start3A_85] : memref<640xf32, #tpu.memory_space<vmem>> -> memref<632xf32, #tpu.memory_space<vmem>>
      tpu.enqueue_dma source(%dma_start3A_86 : memref<632xf32, #tpu.memory_space<vmem>>) target(%dma_start3A_84 : memref<632xf32, #tpu.memory_space<hbm>>) target_semaphore(%run_scoped3A : memref<!tpu.dma_semaphore, #tpu.memory_space<semaphore_mem>>)
      %dma_wait3A_87 = arith.constant 0 : i32
      %dma_wait3A_88 = tpu.memref_slice %arg9[%dma_wait3A_87] : memref<640xf32, #tpu.memory_space<vmem>> -> memref<632xf32, #tpu.memory_space<vmem>>
      %dma_wait3A_89 = tpu.memref_slice %arg4[%add3A_78] : memref<20224xf32, #tpu.memory_space<hbm>> -> memref<632xf32, #tpu.memory_space<hbm>>
      %dma_wait3A_90 = tpu.memref_slice %arg4[%add3A_78] : memref<20224xf32, #tpu.memory_space<hbm>> -> memref<632xf32, #tpu.memory_space<hbm>>
      %dma_wait3A_91 = arith.constant 0 : i32
      %dma_wait3A_92 = tpu.memref_slice %arg9[%dma_wait3A_91] : memref<640xf32, #tpu.memory_space<vmem>> -> memref<632xf32, #tpu.memory_space<vmem>>
      tpu.wait_dma2 semaphore(%run_scoped3A : memref<!tpu.dma_semaphore, #tpu.memory_space<semaphore_mem>>) src(%dma_wait3A_92 : memref<632xf32, #tpu.memory_space<vmem>>) dst(%dma_wait3A_90 : memref<632xf32, #tpu.memory_space<hbm>>)
      tpu.yield
    }) : () -> ()
    "tpu.region"() ({
      %run_scoped3A = tpu.sem_alloc : memref<!tpu.dma_semaphore, #tpu.memory_space<semaphore_mem>>
      %dma_start3A = arith.constant 0 : i32
      %dma_start3A_82 = tpu.memref_slice %arg9[%dma_start3A] : memref<640xf32, #tpu.memory_space<vmem>> -> memref<632xf32, #tpu.memory_space<vmem>>
      %dma_start3A_83 = tpu.memref_slice %arg13[%mul3A_2] : memref<10112xf32, #tpu.memory_space<vmem_shared>> -> memref<632xf32, #tpu.memory_space<vmem_shared>>
      %dma_start3A_84 = arith.constant 0 : i32
      %dma_start3A_85 = tpu.memref_slice %arg9[%dma_start3A_84] : memref<640xf32, #tpu.memory_space<vmem>> -> memref<632xf32, #tpu.memory_space<vmem>>
      %dma_start3A_86 = tpu.memref_slice %arg13[%mul3A_2] : memref<10112xf32, #tpu.memory_space<vmem_shared>> -> memref<632xf32, #tpu.memory_space<vmem_shared>>
      tpu.enqueue_dma source(%dma_start3A_86 : memref<632xf32, #tpu.memory_space<vmem_shared>>) target(%dma_start3A_85 : memref<632xf32, #tpu.memory_space<vmem>>) target_semaphore(%run_scoped3A : memref<!tpu.dma_semaphore, #tpu.memory_space<semaphore_mem>>)
      %dma_wait3A_87 = arith.constant 0 : i32
      %dma_wait3A_88 = tpu.memref_slice %arg9[%dma_wait3A_87] : memref<640xf32, #tpu.memory_space<vmem>> -> memref<632xf32, #tpu.memory_space<vmem>>
      %dma_wait3A_89 = tpu.memref_slice %arg13[%mul3A_2] : memref<10112xf32, #tpu.memory_space<vmem_shared>> -> memref<632xf32, #tpu.memory_space<vmem_shared>>
      %dma_wait3A_90 = arith.constant 0 : i32
      %dma_wait3A_91 = tpu.memref_slice %arg9[%dma_wait3A_90] : memref<640xf32, #tpu.memory_space<vmem>> -> memref<632xf32, #tpu.memory_space<vmem>>
      %dma_wait3A_92 = tpu.memref_slice %arg13[%mul3A_2] : memref<10112xf32, #tpu.memory_space<vmem_shared>> -> memref<632xf32, #tpu.memory_space<vmem_shared>>
      tpu.wait_dma2 semaphore(%run_scoped3A : memref<!tpu.dma_semaphore, #tpu.memory_space<semaphore_mem>>) src(%dma_wait3A_92 : memref<632xf32, #tpu.memory_space<vmem_shared>>) dst(%dma_wait3A_91 : memref<632xf32, #tpu.memory_space<vmem>>)
      tpu.yield
    }) : () -> ()
    %mul3A_79 = arith.constant 10112 : i32
    %mul3A_80 = arith.muli %arg0, %mul3A_79 : i32
    %add3A_81 = arith.addi %mul3A_80, %mul3A_2 : i32
    "tpu.region"() ({
      %run_scoped3A = tpu.sem_alloc : memref<!tpu.dma_semaphore, #tpu.memory_space<semaphore_mem>>
      %dma_start3A = arith.constant 0 : i32
      %dma_start3A_82 = tpu.memref_slice %arg9[%dma_start3A] : memref<640xf32, #tpu.memory_space<vmem>> -> memref<632xf32, #tpu.memory_space<vmem>>
      %dma_start3A_83 = tpu.memref_slice %arg5[%add3A_81] : memref<20224xf32, #tpu.memory_space<hbm>> -> memref<632xf32, #tpu.memory_space<hbm>>
      %dma_start3A_84 = tpu.memref_slice %arg5[%add3A_81] : memref<20224xf32, #tpu.memory_space<hbm>> -> memref<632xf32, #tpu.memory_space<hbm>>
      %dma_start3A_85 = arith.constant 0 : i32
      %dma_start3A_86 = tpu.memref_slice %arg9[%dma_start3A_85] : memref<640xf32, #tpu.memory_space<vmem>> -> memref<632xf32, #tpu.memory_space<vmem>>
      tpu.enqueue_dma source(%dma_start3A_86 : memref<632xf32, #tpu.memory_space<vmem>>) target(%dma_start3A_84 : memref<632xf32, #tpu.memory_space<hbm>>) target_semaphore(%run_scoped3A : memref<!tpu.dma_semaphore, #tpu.memory_space<semaphore_mem>>)
      %dma_wait3A_87 = arith.constant 0 : i32
      %dma_wait3A_88 = tpu.memref_slice %arg9[%dma_wait3A_87] : memref<640xf32, #tpu.memory_space<vmem>> -> memref<632xf32, #tpu.memory_space<vmem>>
      %dma_wait3A_89 = tpu.memref_slice %arg5[%add3A_81] : memref<20224xf32, #tpu.memory_space<hbm>> -> memref<632xf32, #tpu.memory_space<hbm>>
      %dma_wait3A_90 = tpu.memref_slice %arg5[%add3A_81] : memref<20224xf32, #tpu.memory_space<hbm>> -> memref<632xf32, #tpu.memory_space<hbm>>
      %dma_wait3A_91 = arith.constant 0 : i32
      %dma_wait3A_92 = tpu.memref_slice %arg9[%dma_wait3A_91] : memref<640xf32, #tpu.memory_space<vmem>> -> memref<632xf32, #tpu.memory_space<vmem>>
      tpu.wait_dma2 semaphore(%run_scoped3A : memref<!tpu.dma_semaphore, #tpu.memory_space<semaphore_mem>>) src(%dma_wait3A_92 : memref<632xf32, #tpu.memory_space<vmem>>) dst(%dma_wait3A_90 : memref<632xf32, #tpu.memory_space<hbm>>)
      tpu.yield
    }) : () -> ()
    return
  }
}

#map = affine_map<(d0, d1) -> (0, 0)>
#map1 = affine_map<(d0, d1) -> (0)>
#map2 = affine_map<(d0, d1) -> (0, 0, 0)>
module attributes {stable_mosaic.version = 14 : i64} {
  func.func @_sc_edge_body(%arg0: i32, %arg1: i32, %arg2: memref<2560x128xi32, #tpu.memory_space<hbm>>, %arg3: memref<2560x128xi32, #tpu.memory_space<hbm>>, %arg4: memref<10112x128xf32, #tpu.memory_space<hbm>>, %arg5: memref<10112xf32, #tpu.memory_space<hbm>>, %arg6: memref<2x10112x128xf32, #tpu.memory_space<hbm>>, %arg7: memref<20224xf32, #tpu.memory_space<hbm>>, %arg8: memref<40x128xi32, #tpu.memory_space<vmem>>, %arg9: memref<40x128xi32, #tpu.memory_space<vmem>>, %arg10: memref<128x128xf32, #tpu.memory_space<vmem>>, %arg11: memref<128x128xf32, #tpu.memory_space<vmem>>, %arg12: memref<128xf32, #tpu.memory_space<vmem>>, %arg13: memref<128xf32, #tpu.memory_space<vmem>>, %arg14: memref<640xf32, #tpu.memory_space<vmem>>, %arg15: memref<!tpu.dma_semaphore, #tpu.memory_space<semaphore_mem>>, %arg16: memref<!tpu.dma_semaphore, #tpu.memory_space<semaphore_mem>>, %arg17: memref<!tpu.dma_semaphore, #tpu.memory_space<semaphore_mem>>, %arg18: memref<!tpu.dma_semaphore, #tpu.memory_space<semaphore_mem>>, %arg19: memref<10112x128xf32, #tpu.memory_space<vmem_shared>>, %arg20: memref<10112xf32, #tpu.memory_space<vmem_shared>>) attributes {dimension_semantics = [#tpu.dimension_semantics<core_parallel>, #tpu.dimension_semantics<subcore_parallel>], iteration_bounds = array<i64: 2, 16>, scalar_prefetch = 0 : i64, scratch_operands = 13 : i64, tpu.core_type = #tpu.core_type<sc_vector_subcore>, window_params = [{transform_indices = #map}, {transform_indices = #map}, {transform_indices = #map}, {transform_indices = #map1}, {transform_indices = #map2}, {transform_indices = #map1}]} {
    %mul3A = arith.constant 16 : i32
    %mul3A_0 = arith.muli %arg0, %mul3A : i32
    %add3A = arith.addi %mul3A_0, %arg1 : i32
    %mul3A_1 = arith.constant 632 : i32
    %mul3A_2 = arith.muli %arg1, %mul3A_1 : i32
    %scan3A = arith.constant 0 : i32
    %scan3A_3 = arith.constant 0 : i32
    %scan3A_4 = arith.constant 128 : i32
    %scan3A_5 = arith.addi %scan3A_3, %scan3A_4 : i32
    %scan3A_6 = arith.constant 1 : i32
    scf.for %scan3A_81 = %scan3A_3 to %scan3A_5 step %scan3A_6  : i32 {
      %broadcast_in_dim3A = arith.constant 0.000000e+00 : f32
      %broadcast_in_dim3A_82 = vector.broadcast %broadcast_in_dim3A : f32 to vector<16xf32>
      %swap3A = arith.index_cast %scan3A_81 : i32 to index
      %swap3A_83 = arith.constant 0 : index
      %swap3A_84 = tpu.vector_load %arg10[%swap3A, %swap3A_83] {strides = array<i32>} : memref<128x128xf32, #tpu.memory_space<vmem>>, vector<1x16xf32>,
      %swap3A_85 = vector.shape_cast %swap3A_84 : vector<1x16xf32> to vector<16xf32>
      %swap3A_86 = vector.shape_cast %broadcast_in_dim3A_82 : vector<16xf32> to vector<1x16xf32>
      tpu.vector_store %arg10[%swap3A, %swap3A_83], %swap3A_86 {strides = array<i32>} : memref<128x128xf32, #tpu.memory_space<vmem>>, vector<1x16xf32>,
      %broadcast_in_dim3A_87 = arith.constant 0.000000e+00 : f32
      %broadcast_in_dim3A_88 = vector.broadcast %broadcast_in_dim3A_87 : f32 to vector<16xf32>
      %swap3A_89 = arith.index_cast %scan3A_81 : i32 to index
      %swap3A_90 = arith.constant 16 : index
      %swap3A_91 = tpu.vector_load %arg10[%swap3A_89, %swap3A_90] {strides = array<i32>} : memref<128x128xf32, #tpu.memory_space<vmem>>, vector<1x16xf32>,
      %swap3A_92 = vector.shape_cast %swap3A_91 : vector<1x16xf32> to vector<16xf32>
      %swap3A_93 = vector.shape_cast %broadcast_in_dim3A_88 : vector<16xf32> to vector<1x16xf32>
      tpu.vector_store %arg10[%swap3A_89, %swap3A_90], %swap3A_93 {strides = array<i32>} : memref<128x128xf32, #tpu.memory_space<vmem>>, vector<1x16xf32>,
      %broadcast_in_dim3A_94 = arith.constant 0.000000e+00 : f32
      %broadcast_in_dim3A_95 = vector.broadcast %broadcast_in_dim3A_94 : f32 to vector<16xf32>
      %swap3A_96 = arith.index_cast %scan3A_81 : i32 to index
      %swap3A_97 = arith.constant 32 : index
      %swap3A_98 = tpu.vector_load %arg10[%swap3A_96, %swap3A_97] {strides = array<i32>} : memref<128x128xf32, #tpu.memory_space<vmem>>, vector<1x16xf32>,
      %swap3A_99 = vector.shape_cast %swap3A_98 : vector<1x16xf32> to vector<16xf32>
      %swap3A_100 = vector.shape_cast %broadcast_in_dim3A_95 : vector<16xf32> to vector<1x16xf32>
      tpu.vector_store %arg10[%swap3A_96, %swap3A_97], %swap3A_100 {strides = array<i32>} : memref<128x128xf32, #tpu.memory_space<vmem>>, vector<1x16xf32>,
      %broadcast_in_dim3A_101 = arith.constant 0.000000e+00 : f32
      %broadcast_in_dim3A_102 = vector.broadcast %broadcast_in_dim3A_101 : f32 to vector<16xf32>
      %swap3A_103 = arith.index_cast %scan3A_81 : i32 to index
      %swap3A_104 = arith.constant 48 : index
      %swap3A_105 = tpu.vector_load %arg10[%swap3A_103, %swap3A_104] {strides = array<i32>} : memref<128x128xf32, #tpu.memory_space<vmem>>, vector<1x16xf32>,
      %swap3A_106 = vector.shape_cast %swap3A_105 : vector<1x16xf32> to vector<16xf32>
      %swap3A_107 = vector.shape_cast %broadcast_in_dim3A_102 : vector<16xf32> to vector<1x16xf32>
      tpu.vector_store %arg10[%swap3A_103, %swap3A_104], %swap3A_107 {strides = array<i32>} : memref<128x128xf32, #tpu.memory_space<vmem>>, vector<1x16xf32>,
      %broadcast_in_dim3A_108 = arith.constant 0.000000e+00 : f32
      %broadcast_in_dim3A_109 = vector.broadcast %broadcast_in_dim3A_108 : f32 to vector<16xf32>
      %swap3A_110 = arith.index_cast %scan3A_81 : i32 to index
      %swap3A_111 = arith.constant 64 : index
      %swap3A_112 = tpu.vector_load %arg10[%swap3A_110, %swap3A_111] {strides = array<i32>} : memref<128x128xf32, #tpu.memory_space<vmem>>, vector<1x16xf32>,
      %swap3A_113 = vector.shape_cast %swap3A_112 : vector<1x16xf32> to vector<16xf32>
      %swap3A_114 = vector.shape_cast %broadcast_in_dim3A_109 : vector<16xf32> to vector<1x16xf32>
      tpu.vector_store %arg10[%swap3A_110, %swap3A_111], %swap3A_114 {strides = array<i32>} : memref<128x128xf32, #tpu.memory_space<vmem>>, vector<1x16xf32>,
      %broadcast_in_dim3A_115 = arith.constant 0.000000e+00 : f32
      %broadcast_in_dim3A_116 = vector.broadcast %broadcast_in_dim3A_115 : f32 to vector<16xf32>
      %swap3A_117 = arith.index_cast %scan3A_81 : i32 to index
      %swap3A_118 = arith.constant 80 : index
      %swap3A_119 = tpu.vector_load %arg10[%swap3A_117, %swap3A_118] {strides = array<i32>} : memref<128x128xf32, #tpu.memory_space<vmem>>, vector<1x16xf32>,
      %swap3A_120 = vector.shape_cast %swap3A_119 : vector<1x16xf32> to vector<16xf32>
      %swap3A_121 = vector.shape_cast %broadcast_in_dim3A_116 : vector<16xf32> to vector<1x16xf32>
      tpu.vector_store %arg10[%swap3A_117, %swap3A_118], %swap3A_121 {strides = array<i32>} : memref<128x128xf32, #tpu.memory_space<vmem>>, vector<1x16xf32>,
      %broadcast_in_dim3A_122 = arith.constant 0.000000e+00 : f32
      %broadcast_in_dim3A_123 = vector.broadcast %broadcast_in_dim3A_122 : f32 to vector<16xf32>
      %swap3A_124 = arith.index_cast %scan3A_81 : i32 to index
      %swap3A_125 = arith.constant 96 : index
      %swap3A_126 = tpu.vector_load %arg10[%swap3A_124, %swap3A_125] {strides = array<i32>} : memref<128x128xf32, #tpu.memory_space<vmem>>, vector<1x16xf32>,
      %swap3A_127 = vector.shape_cast %swap3A_126 : vector<1x16xf32> to vector<16xf32>
      %swap3A_128 = vector.shape_cast %broadcast_in_dim3A_123 : vector<16xf32> to vector<1x16xf32>
      tpu.vector_store %arg10[%swap3A_124, %swap3A_125], %swap3A_128 {strides = array<i32>} : memref<128x128xf32, #tpu.memory_space<vmem>>, vector<1x16xf32>,
      %broadcast_in_dim3A_129 = arith.constant 0.000000e+00 : f32
      %broadcast_in_dim3A_130 = vector.broadcast %broadcast_in_dim3A_129 : f32 to vector<16xf32>
      %swap3A_131 = arith.index_cast %scan3A_81 : i32 to index
      %swap3A_132 = arith.constant 112 : index
      %swap3A_133 = tpu.vector_load %arg10[%swap3A_131, %swap3A_132] {strides = array<i32>} : memref<128x128xf32, #tpu.memory_space<vmem>>, vector<1x16xf32>,
      %swap3A_134 = vector.shape_cast %swap3A_133 : vector<1x16xf32> to vector<16xf32>
      %swap3A_135 = vector.shape_cast %broadcast_in_dim3A_130 : vector<16xf32> to vector<1x16xf32>
      tpu.vector_store %arg10[%swap3A_131, %swap3A_132], %swap3A_135 {strides = array<i32>} : memref<128x128xf32, #tpu.memory_space<vmem>>, vector<1x16xf32>,
    }
    %scan3A_7 = arith.constant 128 : i32
    %scan3A_8 = arith.constant 0 : i32
    %scan3A_9 = arith.constant 0 : i32
    %scan3A_10 = arith.constant 40 : i32
    %scan3A_11 = arith.addi %scan3A_9, %scan3A_10 : i32
    %scan3A_12 = arith.constant 1 : i32
    scf.for %scan3A_81 = %scan3A_9 to %scan3A_11 step %scan3A_12  : i32 {
      %broadcast_in_dim3A = arith.constant 0.000000e+00 : f32
      %broadcast_in_dim3A_82 = vector.broadcast %broadcast_in_dim3A : f32 to vector<16xf32>
      %mul3A_83 = arith.constant 16 : i32
      %mul3A_84 = arith.muli %scan3A_81, %mul3A_83 : i32
      %swap3A = arith.index_cast %mul3A_84 : i32 to index
      %swap3A_85 = tpu.vector_load %arg14[%swap3A] {strides = array<i32>} : memref<640xf32, #tpu.memory_space<vmem>>, vector<16xf32>,
      %swap3A_86 = vector.shape_cast %swap3A_85 : vector<16xf32> to vector<16xf32>
      %swap3A_87 = vector.shape_cast %broadcast_in_dim3A_82 : vector<16xf32> to vector<16xf32>
      tpu.vector_store %arg14[%swap3A], %swap3A_87 {strides = array<i32>} : memref<640xf32, #tpu.memory_space<vmem>>, vector<16xf32>,
    }
    %scan3A_13 = arith.constant 40 : i32
    %add3A_14 = arith.constant 0 : i32
    %add3A_15 = arith.addi %mul3A_2, %add3A_14 : i32
    "tpu.region"() ({
      %run_scoped3A = tpu.sem_alloc : memref<!tpu.dma_semaphore, #tpu.memory_space<semaphore_mem>>
      %dma_start3A_81 = arith.constant 0 : i32
      %dma_start3A_82 = tpu.memref_slice %arg19[%add3A_15, %dma_start3A_81] : memref<10112x128xf32, #tpu.memory_space<vmem_shared>> -> memref<128x128xf32, #tpu.memory_space<vmem_shared>>
      %dma_start3A_83 = arith.constant 0 : i32
      %dma_start3A_84 = tpu.memref_slice %arg19[%add3A_15, %dma_start3A_83] : memref<10112x128xf32, #tpu.memory_space<vmem_shared>> -> memref<128x128xf32, #tpu.memory_space<vmem_shared>>
      tpu.enqueue_dma source(%arg10 : memref<128x128xf32, #tpu.memory_space<vmem>>) target(%dma_start3A_84 : memref<128x128xf32, #tpu.memory_space<vmem_shared>>) target_semaphore(%run_scoped3A : memref<!tpu.dma_semaphore, #tpu.memory_space<semaphore_mem>>)
      %dma_wait3A = arith.constant 0 : i32
      %dma_wait3A_85 = tpu.memref_slice %arg19[%add3A_15, %dma_wait3A] : memref<10112x128xf32, #tpu.memory_space<vmem_shared>> -> memref<128x128xf32, #tpu.memory_space<vmem_shared>>
      %dma_wait3A_86 = arith.constant 0 : i32
      %dma_wait3A_87 = tpu.memref_slice %arg19[%add3A_15, %dma_wait3A_86] : memref<10112x128xf32, #tpu.memory_space<vmem_shared>> -> memref<128x128xf32, #tpu.memory_space<vmem_shared>>
      tpu.wait_dma2 semaphore(%run_scoped3A : memref<!tpu.dma_semaphore, #tpu.memory_space<semaphore_mem>>) src(%arg10 : memref<128x128xf32, #tpu.memory_space<vmem>>) dst(%dma_wait3A_87 : memref<128x128xf32, #tpu.memory_space<vmem_shared>>)
      tpu.yield
    }) : () -> ()
    %add3A_16 = arith.constant 128 : i32
    %add3A_17 = arith.addi %mul3A_2, %add3A_16 : i32
    "tpu.region"() ({
      %run_scoped3A = tpu.sem_alloc : memref<!tpu.dma_semaphore, #tpu.memory_space<semaphore_mem>>
      %dma_start3A_81 = arith.constant 0 : i32
      %dma_start3A_82 = tpu.memref_slice %arg19[%add3A_17, %dma_start3A_81] : memref<10112x128xf32, #tpu.memory_space<vmem_shared>> -> memref<128x128xf32, #tpu.memory_space<vmem_shared>>
      %dma_start3A_83 = arith.constant 0 : i32
      %dma_start3A_84 = tpu.memref_slice %arg19[%add3A_17, %dma_start3A_83] : memref<10112x128xf32, #tpu.memory_space<vmem_shared>> -> memref<128x128xf32, #tpu.memory_space<vmem_shared>>
      tpu.enqueue_dma source(%arg10 : memref<128x128xf32, #tpu.memory_space<vmem>>) target(%dma_start3A_84 : memref<128x128xf32, #tpu.memory_space<vmem_shared>>) target_semaphore(%run_scoped3A : memref<!tpu.dma_semaphore, #tpu.memory_space<semaphore_mem>>)
      %dma_wait3A = arith.constant 0 : i32
      %dma_wait3A_85 = tpu.memref_slice %arg19[%add3A_17, %dma_wait3A] : memref<10112x128xf32, #tpu.memory_space<vmem_shared>> -> memref<128x128xf32, #tpu.memory_space<vmem_shared>>
      %dma_wait3A_86 = arith.constant 0 : i32
      %dma_wait3A_87 = tpu.memref_slice %arg19[%add3A_17, %dma_wait3A_86] : memref<10112x128xf32, #tpu.memory_space<vmem_shared>> -> memref<128x128xf32, #tpu.memory_space<vmem_shared>>
      tpu.wait_dma2 semaphore(%run_scoped3A : memref<!tpu.dma_semaphore, #tpu.memory_space<semaphore_mem>>) src(%arg10 : memref<128x128xf32, #tpu.memory_space<vmem>>) dst(%dma_wait3A_87 : memref<128x128xf32, #tpu.memory_space<vmem_shared>>)
      tpu.yield
    }) : () -> ()
    %add3A_18 = arith.constant 256 : i32
    %add3A_19 = arith.addi %mul3A_2, %add3A_18 : i32
    "tpu.region"() ({
      %run_scoped3A = tpu.sem_alloc : memref<!tpu.dma_semaphore, #tpu.memory_space<semaphore_mem>>
      %dma_start3A_81 = arith.constant 0 : i32
      %dma_start3A_82 = tpu.memref_slice %arg19[%add3A_19, %dma_start3A_81] : memref<10112x128xf32, #tpu.memory_space<vmem_shared>> -> memref<128x128xf32, #tpu.memory_space<vmem_shared>>
      %dma_start3A_83 = arith.constant 0 : i32
      %dma_start3A_84 = tpu.memref_slice %arg19[%add3A_19, %dma_start3A_83] : memref<10112x128xf32, #tpu.memory_space<vmem_shared>> -> memref<128x128xf32, #tpu.memory_space<vmem_shared>>
      tpu.enqueue_dma source(%arg10 : memref<128x128xf32, #tpu.memory_space<vmem>>) target(%dma_start3A_84 : memref<128x128xf32, #tpu.memory_space<vmem_shared>>) target_semaphore(%run_scoped3A : memref<!tpu.dma_semaphore, #tpu.memory_space<semaphore_mem>>)
      %dma_wait3A = arith.constant 0 : i32
      %dma_wait3A_85 = tpu.memref_slice %arg19[%add3A_19, %dma_wait3A] : memref<10112x128xf32, #tpu.memory_space<vmem_shared>> -> memref<128x128xf32, #tpu.memory_space<vmem_shared>>
      %dma_wait3A_86 = arith.constant 0 : i32
      %dma_wait3A_87 = tpu.memref_slice %arg19[%add3A_19, %dma_wait3A_86] : memref<10112x128xf32, #tpu.memory_space<vmem_shared>> -> memref<128x128xf32, #tpu.memory_space<vmem_shared>>
      tpu.wait_dma2 semaphore(%run_scoped3A : memref<!tpu.dma_semaphore, #tpu.memory_space<semaphore_mem>>) src(%arg10 : memref<128x128xf32, #tpu.memory_space<vmem>>) dst(%dma_wait3A_87 : memref<128x128xf32, #tpu.memory_space<vmem_shared>>)
      tpu.yield
    }) : () -> ()
    %add3A_20 = arith.constant 384 : i32
    %add3A_21 = arith.addi %mul3A_2, %add3A_20 : i32
    "tpu.region"() ({
      %run_scoped3A = tpu.sem_alloc : memref<!tpu.dma_semaphore, #tpu.memory_space<semaphore_mem>>
      %dma_start3A_81 = arith.constant 0 : i32
      %dma_start3A_82 = tpu.memref_slice %arg19[%add3A_21, %dma_start3A_81] : memref<10112x128xf32, #tpu.memory_space<vmem_shared>> -> memref<128x128xf32, #tpu.memory_space<vmem_shared>>
      %dma_start3A_83 = arith.constant 0 : i32
      %dma_start3A_84 = tpu.memref_slice %arg19[%add3A_21, %dma_start3A_83] : memref<10112x128xf32, #tpu.memory_space<vmem_shared>> -> memref<128x128xf32, #tpu.memory_space<vmem_shared>>
      tpu.enqueue_dma source(%arg10 : memref<128x128xf32, #tpu.memory_space<vmem>>) target(%dma_start3A_84 : memref<128x128xf32, #tpu.memory_space<vmem_shared>>) target_semaphore(%run_scoped3A : memref<!tpu.dma_semaphore, #tpu.memory_space<semaphore_mem>>)
      %dma_wait3A = arith.constant 0 : i32
      %dma_wait3A_85 = tpu.memref_slice %arg19[%add3A_21, %dma_wait3A] : memref<10112x128xf32, #tpu.memory_space<vmem_shared>> -> memref<128x128xf32, #tpu.memory_space<vmem_shared>>
      %dma_wait3A_86 = arith.constant 0 : i32
      %dma_wait3A_87 = tpu.memref_slice %arg19[%add3A_21, %dma_wait3A_86] : memref<10112x128xf32, #tpu.memory_space<vmem_shared>> -> memref<128x128xf32, #tpu.memory_space<vmem_shared>>
      tpu.wait_dma2 semaphore(%run_scoped3A : memref<!tpu.dma_semaphore, #tpu.memory_space<semaphore_mem>>) src(%arg10 : memref<128x128xf32, #tpu.memory_space<vmem>>) dst(%dma_wait3A_87 : memref<128x128xf32, #tpu.memory_space<vmem_shared>>)
      tpu.yield
    }) : () -> ()
    %add3A_22 = arith.constant 512 : i32
    %add3A_23 = arith.addi %mul3A_2, %add3A_22 : i32
    "tpu.region"() ({
      %run_scoped3A = tpu.sem_alloc : memref<!tpu.dma_semaphore, #tpu.memory_space<semaphore_mem>>
      %dma_start3A_81 = arith.constant 0 : i32
      %dma_start3A_82 = arith.constant 0 : i32
      %dma_start3A_83 = tpu.memref_slice %arg10[%dma_start3A_81, %dma_start3A_82] : memref<128x128xf32, #tpu.memory_space<vmem>> -> memref<120x128xf32, #tpu.memory_space<vmem>>
      %dma_start3A_84 = arith.constant 0 : i32
      %dma_start3A_85 = tpu.memref_slice %arg19[%add3A_23, %dma_start3A_84] : memref<10112x128xf32, #tpu.memory_space<vmem_shared>> -> memref<120x128xf32, #tpu.memory_space<vmem_shared>>
      %dma_start3A_86 = arith.constant 0 : i32
      %dma_start3A_87 = tpu.memref_slice %arg19[%add3A_23, %dma_start3A_86] : memref<10112x128xf32, #tpu.memory_space<vmem_shared>> -> memref<120x128xf32, #tpu.memory_space<vmem_shared>>
      %dma_start3A_88 = arith.constant 0 : i32
      %dma_start3A_89 = arith.constant 0 : i32
      %dma_start3A_90 = tpu.memref_slice %arg10[%dma_start3A_88, %dma_start3A_89] : memref<128x128xf32, #tpu.memory_space<vmem>> -> memref<120x128xf32, #tpu.memory_space<vmem>>
      tpu.enqueue_dma source(%dma_start3A_90 : memref<120x128xf32, #tpu.memory_space<vmem>>) target(%dma_start3A_87 : memref<120x128xf32, #tpu.memory_space<vmem_shared>>) target_semaphore(%run_scoped3A : memref<!tpu.dma_semaphore, #tpu.memory_space<semaphore_mem>>)
      %dma_wait3A = arith.constant 0 : i32
      %dma_wait3A_91 = arith.constant 0 : i32
      %dma_wait3A_92 = tpu.memref_slice %arg10[%dma_wait3A, %dma_wait3A_91] : memref<128x128xf32, #tpu.memory_space<vmem>> -> memref<120x128xf32, #tpu.memory_space<vmem>>
      %dma_wait3A_93 = arith.constant 0 : i32
      %dma_wait3A_94 = tpu.memref_slice %arg19[%add3A_23, %dma_wait3A_93] : memref<10112x128xf32, #tpu.memory_space<vmem_shared>> -> memref<120x128xf32, #tpu.memory_space<vmem_shared>>
      %dma_wait3A_95 = arith.constant 0 : i32
      %dma_wait3A_96 = tpu.memref_slice %arg19[%add3A_23, %dma_wait3A_95] : memref<10112x128xf32, #tpu.memory_space<vmem_shared>> -> memref<120x128xf32, #tpu.memory_space<vmem_shared>>
      %dma_wait3A_97 = arith.constant 0 : i32
      %dma_wait3A_98 = arith.constant 0 : i32
      %dma_wait3A_99 = tpu.memref_slice %arg10[%dma_wait3A_97, %dma_wait3A_98] : memref<128x128xf32, #tpu.memory_space<vmem>> -> memref<120x128xf32, #tpu.memory_space<vmem>>
      tpu.wait_dma2 semaphore(%run_scoped3A : memref<!tpu.dma_semaphore, #tpu.memory_space<semaphore_mem>>) src(%dma_wait3A_99 : memref<120x128xf32, #tpu.memory_space<vmem>>) dst(%dma_wait3A_96 : memref<120x128xf32, #tpu.memory_space<vmem_shared>>)
      tpu.yield
    }) : () -> ()
    "tpu.region"() ({
      %run_scoped3A = tpu.sem_alloc : memref<!tpu.dma_semaphore, #tpu.memory_space<semaphore_mem>>
      %dma_start3A_81 = arith.constant 0 : i32
      %dma_start3A_82 = tpu.memref_slice %arg14[%dma_start3A_81] : memref<640xf32, #tpu.memory_space<vmem>> -> memref<632xf32, #tpu.memory_space<vmem>>
      %dma_start3A_83 = tpu.memref_slice %arg20[%mul3A_2] : memref<10112xf32, #tpu.memory_space<vmem_shared>> -> memref<632xf32, #tpu.memory_space<vmem_shared>>
      %dma_start3A_84 = tpu.memref_slice %arg20[%mul3A_2] : memref<10112xf32, #tpu.memory_space<vmem_shared>> -> memref<632xf32, #tpu.memory_space<vmem_shared>>
      %dma_start3A_85 = arith.constant 0 : i32
      %dma_start3A_86 = tpu.memref_slice %arg14[%dma_start3A_85] : memref<640xf32, #tpu.memory_space<vmem>> -> memref<632xf32, #tpu.memory_space<vmem>>
      tpu.enqueue_dma source(%dma_start3A_86 : memref<632xf32, #tpu.memory_space<vmem>>) target(%dma_start3A_84 : memref<632xf32, #tpu.memory_space<vmem_shared>>) target_semaphore(%run_scoped3A : memref<!tpu.dma_semaphore, #tpu.memory_space<semaphore_mem>>)
      %dma_wait3A = arith.constant 0 : i32
      %dma_wait3A_87 = tpu.memref_slice %arg14[%dma_wait3A] : memref<640xf32, #tpu.memory_space<vmem>> -> memref<632xf32, #tpu.memory_space<vmem>>
      %dma_wait3A_88 = tpu.memref_slice %arg20[%mul3A_2] : memref<10112xf32, #tpu.memory_space<vmem_shared>> -> memref<632xf32, #tpu.memory_space<vmem_shared>>
      %dma_wait3A_89 = tpu.memref_slice %arg20[%mul3A_2] : memref<10112xf32, #tpu.memory_space<vmem_shared>> -> memref<632xf32, #tpu.memory_space<vmem_shared>>
      %dma_wait3A_90 = arith.constant 0 : i32
      %dma_wait3A_91 = tpu.memref_slice %arg14[%dma_wait3A_90] : memref<640xf32, #tpu.memory_space<vmem>> -> memref<632xf32, #tpu.memory_space<vmem>>
      tpu.wait_dma2 semaphore(%run_scoped3A : memref<!tpu.dma_semaphore, #tpu.memory_space<semaphore_mem>>) src(%dma_wait3A_91 : memref<632xf32, #tpu.memory_space<vmem>>) dst(%dma_wait3A_89 : memref<632xf32, #tpu.memory_space<vmem_shared>>)
      tpu.yield
    }) : () -> ()
    %barrier3A = arith.constant 0 : index
    tpu.barrier barrier_id(%barrier3A)
    %mul3A_24 = arith.constant 80 : i32
    %mul3A_25 = arith.muli %add3A, %mul3A_24 : i32
    %add3A_26 = arith.constant 0 : i32
    %add3A_27 = arith.addi %mul3A_25, %add3A_26 : i32
    "tpu.region"() ({
      %run_scoped3A = tpu.sem_alloc : memref<!tpu.dma_semaphore, #tpu.memory_space<semaphore_mem>>
      %dma_start3A_81 = arith.constant 0 : i32
      %dma_start3A_82 = tpu.memref_slice %arg2[%add3A_27, %dma_start3A_81] : memref<2560x128xi32, #tpu.memory_space<hbm>> -> memref<40x128xi32, #tpu.memory_space<hbm>>
      %dma_start3A_83 = arith.constant 0 : i32
      %dma_start3A_84 = tpu.memref_slice %arg2[%add3A_27, %dma_start3A_83] : memref<2560x128xi32, #tpu.memory_space<hbm>> -> memref<40x128xi32, #tpu.memory_space<hbm>>
      tpu.enqueue_dma source(%dma_start3A_84 : memref<40x128xi32, #tpu.memory_space<hbm>>) target(%arg8 : memref<40x128xi32, #tpu.memory_space<vmem>>) target_semaphore(%run_scoped3A : memref<!tpu.dma_semaphore, #tpu.memory_space<semaphore_mem>>)
      %dma_wait3A = arith.constant 0 : i32
      %dma_wait3A_85 = tpu.memref_slice %arg2[%add3A_27, %dma_wait3A] : memref<2560x128xi32, #tpu.memory_space<hbm>> -> memref<40x128xi32, #tpu.memory_space<hbm>>
      %dma_wait3A_86 = arith.constant 0 : i32
      %dma_wait3A_87 = tpu.memref_slice %arg2[%add3A_27, %dma_wait3A_86] : memref<2560x128xi32, #tpu.memory_space<hbm>> -> memref<40x128xi32, #tpu.memory_space<hbm>>
      tpu.wait_dma2 semaphore(%run_scoped3A : memref<!tpu.dma_semaphore, #tpu.memory_space<semaphore_mem>>) src(%dma_wait3A_87 : memref<40x128xi32, #tpu.memory_space<hbm>>) dst(%arg8 : memref<40x128xi32, #tpu.memory_space<vmem>>)
      tpu.yield
    }) : () -> ()
    %mul3A_28 = arith.constant 80 : i32
    %mul3A_29 = arith.muli %add3A, %mul3A_28 : i32
    %add3A_30 = arith.constant 0 : i32
    %add3A_31 = arith.addi %mul3A_29, %add3A_30 : i32
    "tpu.region"() ({
      %run_scoped3A = tpu.sem_alloc : memref<!tpu.dma_semaphore, #tpu.memory_space<semaphore_mem>>
      %dma_start3A_81 = arith.constant 0 : i32
      %dma_start3A_82 = tpu.memref_slice %arg3[%add3A_31, %dma_start3A_81] : memref<2560x128xi32, #tpu.memory_space<hbm>> -> memref<40x128xi32, #tpu.memory_space<hbm>>
      %dma_start3A_83 = arith.constant 0 : i32
      %dma_start3A_84 = tpu.memref_slice %arg3[%add3A_31, %dma_start3A_83] : memref<2560x128xi32, #tpu.memory_space<hbm>> -> memref<40x128xi32, #tpu.memory_space<hbm>>
      tpu.enqueue_dma source(%dma_start3A_84 : memref<40x128xi32, #tpu.memory_space<hbm>>) target(%arg9 : memref<40x128xi32, #tpu.memory_space<vmem>>) target_semaphore(%run_scoped3A : memref<!tpu.dma_semaphore, #tpu.memory_space<semaphore_mem>>)
      %dma_wait3A = arith.constant 0 : i32
      %dma_wait3A_85 = tpu.memref_slice %arg3[%add3A_31, %dma_wait3A] : memref<2560x128xi32, #tpu.memory_space<hbm>> -> memref<40x128xi32, #tpu.memory_space<hbm>>
      %dma_wait3A_86 = arith.constant 0 : i32
      %dma_wait3A_87 = tpu.memref_slice %arg3[%add3A_31, %dma_wait3A_86] : memref<2560x128xi32, #tpu.memory_space<hbm>> -> memref<40x128xi32, #tpu.memory_space<hbm>>
      tpu.wait_dma2 semaphore(%run_scoped3A : memref<!tpu.dma_semaphore, #tpu.memory_space<semaphore_mem>>) src(%dma_wait3A_87 : memref<40x128xi32, #tpu.memory_space<hbm>>) dst(%arg9 : memref<40x128xi32, #tpu.memory_space<vmem>>)
      tpu.yield
    }) : () -> ()
    %dma_start3A = arith.constant 0 : i32
    %dma_start3A_32 = arith.constant 0 : i32
    %dma_start3A_33 = tpu.memref_slice %arg8[%dma_start3A, %dma_start3A_32] : memref<40x128xi32, #tpu.memory_space<vmem>> -> memref<1x128xi32, #tpu.memory_space<vmem>>
    %dma_start3A_34 = tpu.memref_squeeze %dma_start3A_33 : memref<1x128xi32, #tpu.memory_space<vmem>> -> memref<128xi32, #tpu.memory_space<vmem>>
    %dma_start3A_35 = arith.constant 0 : i32
    %dma_start3A_36 = arith.constant 0 : i32
    %dma_start3A_37 = tpu.memref_slice %arg4[%dma_start3A_35, %dma_start3A_36] : memref<10112x128xf32, #tpu.memory_space<hbm>> -> memref<10112x128xf32, #tpu.memory_space<hbm>>
    tpu.enqueue_indirect_dma source(%dma_start3A_37 : memref<10112x128xf32, #tpu.memory_space<hbm>>) target(%arg10 : memref<128x128xf32, #tpu.memory_space<vmem>>) offsets(%dma_start3A_34 : memref<128xi32, #tpu.memory_space<vmem>>) semaphore(%arg15 : memref<!tpu.dma_semaphore, #tpu.memory_space<semaphore_mem>>)
    %dma_start3A_38 = arith.constant 0 : i32
    %dma_start3A_39 = arith.constant 0 : i32
    %dma_start3A_40 = tpu.memref_slice %arg9[%dma_start3A_38, %dma_start3A_39] : memref<40x128xi32, #tpu.memory_space<vmem>> -> memref<1x128xi32, #tpu.memory_space<vmem>>
    %dma_start3A_41 = tpu.memref_squeeze %dma_start3A_40 : memref<1x128xi32, #tpu.memory_space<vmem>> -> memref<128xi32, #tpu.memory_space<vmem>>
    %dma_start3A_42 = arith.constant 0 : i32
    %dma_start3A_43 = tpu.memref_slice %arg5[%dma_start3A_42] : memref<10112xf32, #tpu.memory_space<hbm>> -> memref<10112xf32, #tpu.memory_space<hbm>>
    tpu.enqueue_indirect_dma source(%dma_start3A_43 : memref<10112xf32, #tpu.memory_space<hbm>>) target(%arg12 : memref<128xf32, #tpu.memory_space<vmem>>) offsets(%dma_start3A_41 : memref<128xi32, #tpu.memory_space<vmem>>) semaphore(%arg17 : memref<!tpu.dma_semaphore, #tpu.memory_space<semaphore_mem>>)
    %scan3A_44 = arith.constant 0 : i32
    %scan3A_45 = arith.constant 0 : i32
    %scan3A_46 = arith.constant 20 : i32
    %scan3A_47 = arith.addi %scan3A_45, %scan3A_46 : i32
    %scan3A_48 = arith.constant 1 : i32
    scf.for %scan3A_81 = %scan3A_45 to %scan3A_47 step %scan3A_48  : i32 {
      %mul3A_82 = arith.constant 2 : i32
      %mul3A_83 = arith.muli %mul3A_82, %scan3A_81 : i32
      %add3A_84 = arith.constant 1 : i32
      %add3A_85 = arith.addi %mul3A_83, %add3A_84 : i32
      %dma_start3A_86 = arith.constant 0 : i32
      %dma_start3A_87 = tpu.memref_slice %arg8[%add3A_85, %dma_start3A_86] : memref<40x128xi32, #tpu.memory_space<vmem>> -> memref<1x128xi32, #tpu.memory_space<vmem>>
      %dma_start3A_88 = tpu.memref_squeeze %dma_start3A_87 : memref<1x128xi32, #tpu.memory_space<vmem>> -> memref<128xi32, #tpu.memory_space<vmem>>
      %dma_start3A_89 = arith.constant 0 : i32
      %dma_start3A_90 = arith.constant 0 : i32
      %dma_start3A_91 = tpu.memref_slice %arg4[%dma_start3A_89, %dma_start3A_90] : memref<10112x128xf32, #tpu.memory_space<hbm>> -> memref<10112x128xf32, #tpu.memory_space<hbm>>
      tpu.enqueue_indirect_dma source(%dma_start3A_91 : memref<10112x128xf32, #tpu.memory_space<hbm>>) target(%arg11 : memref<128x128xf32, #tpu.memory_space<vmem>>) offsets(%dma_start3A_88 : memref<128xi32, #tpu.memory_space<vmem>>) semaphore(%arg16 : memref<!tpu.dma_semaphore, #tpu.memory_space<semaphore_mem>>)
      %dma_start3A_92 = arith.constant 0 : i32
      %dma_start3A_93 = tpu.memref_slice %arg9[%add3A_85, %dma_start3A_92] : memref<40x128xi32, #tpu.memory_space<vmem>> -> memref<1x128xi32, #tpu.memory_space<vmem>>
      %dma_start3A_94 = tpu.memref_squeeze %dma_start3A_93 : memref<1x128xi32, #tpu.memory_space<vmem>> -> memref<128xi32, #tpu.memory_space<vmem>>
      %dma_start3A_95 = arith.constant 0 : i32
      %dma_start3A_96 = tpu.memref_slice %arg5[%dma_start3A_95] : memref<10112xf32, #tpu.memory_space<hbm>> -> memref<10112xf32, #tpu.memory_space<hbm>>
      tpu.enqueue_indirect_dma source(%dma_start3A_96 : memref<10112xf32, #tpu.memory_space<hbm>>) target(%arg13 : memref<128xf32, #tpu.memory_space<vmem>>) offsets(%dma_start3A_94 : memref<128xi32, #tpu.memory_space<vmem>>) semaphore(%arg18 : memref<!tpu.dma_semaphore, #tpu.memory_space<semaphore_mem>>)
      %dma_wait3A = arith.constant 0 : i32
      %dma_wait3A_97 = arith.constant 0 : i32
      %dma_wait3A_98 = tpu.memref_slice %arg4[%dma_wait3A, %dma_wait3A_97] : memref<10112x128xf32, #tpu.memory_space<hbm>> -> memref<128x128xf32, #tpu.memory_space<hbm>>
      %dma_wait3A_99 = arith.constant 0 : i32
      %dma_wait3A_100 = arith.constant 0 : i32
      %dma_wait3A_101 = tpu.memref_slice %arg4[%dma_wait3A_99, %dma_wait3A_100] : memref<10112x128xf32, #tpu.memory_space<hbm>> -> memref<128x128xf32, #tpu.memory_space<hbm>>
      tpu.wait_dma2 semaphore(%arg15 : memref<!tpu.dma_semaphore, #tpu.memory_space<semaphore_mem>>) src(%dma_wait3A_101 : memref<128x128xf32, #tpu.memory_space<hbm>>) dst(%arg10 : memref<128x128xf32, #tpu.memory_space<vmem>>)
      %dma_wait3A_102 = arith.constant 0 : i32
      %dma_wait3A_103 = tpu.memref_slice %arg5[%dma_wait3A_102] : memref<10112xf32, #tpu.memory_space<hbm>> -> memref<128xf32, #tpu.memory_space<hbm>>
      %dma_wait3A_104 = arith.constant 0 : i32
      %dma_wait3A_105 = tpu.memref_slice %arg5[%dma_wait3A_104] : memref<10112xf32, #tpu.memory_space<hbm>> -> memref<128xf32, #tpu.memory_space<hbm>>
      tpu.wait_dma2 semaphore(%arg17 : memref<!tpu.dma_semaphore, #tpu.memory_space<semaphore_mem>>) src(%dma_wait3A_105 : memref<128xf32, #tpu.memory_space<hbm>>) dst(%arg12 : memref<128xf32, #tpu.memory_space<vmem>>)
      %mul3A_106 = arith.constant 2 : i32
      %mul3A_107 = arith.muli %mul3A_106, %scan3A_81 : i32
      "tpu.region"() ({
        %run_scoped3A = tpu.sem_alloc : memref<!tpu.dma_semaphore, #tpu.memory_space<semaphore_mem>>
        %dma_start3A_124 = arith.constant 0 : i32
        %dma_start3A_125 = tpu.memref_slice %arg9[%mul3A_107, %dma_start3A_124] : memref<40x128xi32, #tpu.memory_space<vmem>> -> memref<1x128xi32, #tpu.memory_space<vmem>>
        %dma_start3A_126 = tpu.memref_squeeze %dma_start3A_125 : memref<1x128xi32, #tpu.memory_space<vmem>> -> memref<128xi32, #tpu.memory_space<vmem>>
        %dma_start3A_127 = arith.constant 0 : i32
        %dma_start3A_128 = arith.constant 0 : i32
        %dma_start3A_129 = tpu.memref_slice %arg19[%dma_start3A_127, %dma_start3A_128] : memref<10112x128xf32, #tpu.memory_space<vmem_shared>> -> memref<10112x128xf32, #tpu.memory_space<vmem_shared>>
        tpu.enqueue_indirect_dma source(%arg10 : memref<128x128xf32, #tpu.memory_space<vmem>>) target(%dma_start3A_129 : memref<10112x128xf32, #tpu.memory_space<vmem_shared>>) offsets(%dma_start3A_126 : memref<128xi32, #tpu.memory_space<vmem>>) semaphore(%run_scoped3A : memref<!tpu.dma_semaphore, #tpu.memory_space<semaphore_mem>>) {add = true}
        %dma_wait3A_130 = arith.constant 0 : i32
        %dma_wait3A_131 = tpu.memref_slice %arg9[%mul3A_107, %dma_wait3A_130] : memref<40x128xi32, #tpu.memory_space<vmem>> -> memref<1x128xi32, #tpu.memory_space<vmem>>
        %dma_wait3A_132 = tpu.memref_squeeze %dma_wait3A_131 : memref<1x128xi32, #tpu.memory_space<vmem>> -> memref<128xi32, #tpu.memory_space<vmem>>
        %dma_wait3A_133 = arith.constant 0 : i32
        %dma_wait3A_134 = arith.constant 0 : i32
        %dma_wait3A_135 = tpu.memref_slice %arg19[%dma_wait3A_133, %dma_wait3A_134] : memref<10112x128xf32, #tpu.memory_space<vmem_shared>> -> memref<10112x128xf32, #tpu.memory_space<vmem_shared>>
        tpu.wait_indirect_dma semaphore(%run_scoped3A : memref<!tpu.dma_semaphore, #tpu.memory_space<semaphore_mem>>) src(%arg10 : memref<128x128xf32, #tpu.memory_space<vmem>>) dst(%dma_wait3A_135 : memref<10112x128xf32, #tpu.memory_space<vmem_shared>>)
        tpu.yield
      }) : () -> ()
      "tpu.region"() ({
        %run_scoped3A = tpu.sem_alloc : memref<!tpu.dma_semaphore, #tpu.memory_space<semaphore_mem>>
        %dma_start3A_124 = arith.constant 0 : i32
        %dma_start3A_125 = tpu.memref_slice %arg8[%mul3A_107, %dma_start3A_124] : memref<40x128xi32, #tpu.memory_space<vmem>> -> memref<1x128xi32, #tpu.memory_space<vmem>>
        %dma_start3A_126 = tpu.memref_squeeze %dma_start3A_125 : memref<1x128xi32, #tpu.memory_space<vmem>> -> memref<128xi32, #tpu.memory_space<vmem>>
        %dma_start3A_127 = arith.constant 0 : i32
        %dma_start3A_128 = tpu.memref_slice %arg20[%dma_start3A_127] : memref<10112xf32, #tpu.memory_space<vmem_shared>> -> memref<10112xf32, #tpu.memory_space<vmem_shared>>
        tpu.enqueue_indirect_dma source(%arg12 : memref<128xf32, #tpu.memory_space<vmem>>) target(%dma_start3A_128 : memref<10112xf32, #tpu.memory_space<vmem_shared>>) offsets(%dma_start3A_126 : memref<128xi32, #tpu.memory_space<vmem>>) semaphore(%run_scoped3A : memref<!tpu.dma_semaphore, #tpu.memory_space<semaphore_mem>>) {add = true}
        %dma_wait3A_129 = arith.constant 0 : i32
        %dma_wait3A_130 = tpu.memref_slice %arg8[%mul3A_107, %dma_wait3A_129] : memref<40x128xi32, #tpu.memory_space<vmem>> -> memref<1x128xi32, #tpu.memory_space<vmem>>
        %dma_wait3A_131 = tpu.memref_squeeze %dma_wait3A_130 : memref<1x128xi32, #tpu.memory_space<vmem>> -> memref<128xi32, #tpu.memory_space<vmem>>
        %dma_wait3A_132 = arith.constant 0 : i32
        %dma_wait3A_133 = tpu.memref_slice %arg20[%dma_wait3A_132] : memref<10112xf32, #tpu.memory_space<vmem_shared>> -> memref<10112xf32, #tpu.memory_space<vmem_shared>>
        tpu.wait_indirect_dma semaphore(%run_scoped3A : memref<!tpu.dma_semaphore, #tpu.memory_space<semaphore_mem>>) src(%arg12 : memref<128xf32, #tpu.memory_space<vmem>>) dst(%dma_wait3A_133 : memref<10112xf32, #tpu.memory_space<vmem_shared>>)
        tpu.yield
      }) : () -> ()
      %lt3A = arith.constant 19 : i32
      %lt3A_108 = arith.cmpi slt, %scan3A_81, %lt3A : i32
      %convert_element_type3A = arith.extui %lt3A_108 : i1 to i32
      %cond3A = arith.constant 0 : i32
      %cond3A_109 = arith.cmpi ne, %convert_element_type3A, %cond3A : i32
      scf.if %cond3A_109 {
        %mul3A_124 = arith.constant 2 : i32
        %mul3A_125 = arith.muli %mul3A_124, %scan3A_81 : i32
        %add3A_126 = arith.constant 2 : i32
        %add3A_127 = arith.addi %mul3A_125, %add3A_126 : i32
        %dma_start3A_128 = arith.constant 0 : i32
        %dma_start3A_129 = tpu.memref_slice %arg8[%add3A_127, %dma_start3A_128] : memref<40x128xi32, #tpu.memory_space<vmem>> -> memref<1x128xi32, #tpu.memory_space<vmem>>
        %dma_start3A_130 = tpu.memref_squeeze %dma_start3A_129 : memref<1x128xi32, #tpu.memory_space<vmem>> -> memref<128xi32, #tpu.memory_space<vmem>>
        %dma_start3A_131 = arith.constant 0 : i32
        %dma_start3A_132 = arith.constant 0 : i32
        %dma_start3A_133 = tpu.memref_slice %arg4[%dma_start3A_131, %dma_start3A_132] : memref<10112x128xf32, #tpu.memory_space<hbm>> -> memref<10112x128xf32, #tpu.memory_space<hbm>>
        tpu.enqueue_indirect_dma source(%dma_start3A_133 : memref<10112x128xf32, #tpu.memory_space<hbm>>) target(%arg10 : memref<128x128xf32, #tpu.memory_space<vmem>>) offsets(%dma_start3A_130 : memref<128xi32, #tpu.memory_space<vmem>>) semaphore(%arg15 : memref<!tpu.dma_semaphore, #tpu.memory_space<semaphore_mem>>)
        %dma_start3A_134 = arith.constant 0 : i32
        %dma_start3A_135 = tpu.memref_slice %arg9[%add3A_127, %dma_start3A_134] : memref<40x128xi32, #tpu.memory_space<vmem>> -> memref<1x128xi32, #tpu.memory_space<vmem>>
        %dma_start3A_136 = tpu.memref_squeeze %dma_start3A_135 : memref<1x128xi32, #tpu.memory_space<vmem>> -> memref<128xi32, #tpu.memory_space<vmem>>
        %dma_start3A_137 = arith.constant 0 : i32
        %dma_start3A_138 = tpu.memref_slice %arg5[%dma_start3A_137] : memref<10112xf32, #tpu.memory_space<hbm>> -> memref<10112xf32, #tpu.memory_space<hbm>>
        tpu.enqueue_indirect_dma source(%dma_start3A_138 : memref<10112xf32, #tpu.memory_space<hbm>>) target(%arg12 : memref<128xf32, #tpu.memory_space<vmem>>) offsets(%dma_start3A_136 : memref<128xi32, #tpu.memory_space<vmem>>) semaphore(%arg17 : memref<!tpu.dma_semaphore, #tpu.memory_space<semaphore_mem>>)
      } else {
      }
      %dma_wait3A_110 = arith.constant 0 : i32
      %dma_wait3A_111 = arith.constant 0 : i32
      %dma_wait3A_112 = tpu.memref_slice %arg4[%dma_wait3A_110, %dma_wait3A_111] : memref<10112x128xf32, #tpu.memory_space<hbm>> -> memref<128x128xf32, #tpu.memory_space<hbm>>
      %dma_wait3A_113 = arith.constant 0 : i32
      %dma_wait3A_114 = arith.constant 0 : i32
      %dma_wait3A_115 = tpu.memref_slice %arg4[%dma_wait3A_113, %dma_wait3A_114] : memref<10112x128xf32, #tpu.memory_space<hbm>> -> memref<128x128xf32, #tpu.memory_space<hbm>>
      tpu.wait_dma2 semaphore(%arg16 : memref<!tpu.dma_semaphore, #tpu.memory_space<semaphore_mem>>) src(%dma_wait3A_115 : memref<128x128xf32, #tpu.memory_space<hbm>>) dst(%arg11 : memref<128x128xf32, #tpu.memory_space<vmem>>)
      %dma_wait3A_116 = arith.constant 0 : i32
      %dma_wait3A_117 = tpu.memref_slice %arg5[%dma_wait3A_116] : memref<10112xf32, #tpu.memory_space<hbm>> -> memref<128xf32, #tpu.memory_space<hbm>>
      %dma_wait3A_118 = arith.constant 0 : i32
      %dma_wait3A_119 = tpu.memref_slice %arg5[%dma_wait3A_118] : memref<10112xf32, #tpu.memory_space<hbm>> -> memref<128xf32, #tpu.memory_space<hbm>>
      tpu.wait_dma2 semaphore(%arg18 : memref<!tpu.dma_semaphore, #tpu.memory_space<semaphore_mem>>) src(%dma_wait3A_119 : memref<128xf32, #tpu.memory_space<hbm>>) dst(%arg13 : memref<128xf32, #tpu.memory_space<vmem>>)
      %mul3A_120 = arith.constant 2 : i32
      %mul3A_121 = arith.muli %mul3A_120, %scan3A_81 : i32
      %add3A_122 = arith.constant 1 : i32
      %add3A_123 = arith.addi %mul3A_121, %add3A_122 : i32
      "tpu.region"() ({
        %run_scoped3A = tpu.sem_alloc : memref<!tpu.dma_semaphore, #tpu.memory_space<semaphore_mem>>
        %dma_start3A_124 = arith.constant 0 : i32
        %dma_start3A_125 = tpu.memref_slice %arg9[%add3A_123, %dma_start3A_124] : memref<40x128xi32, #tpu.memory_space<vmem>> -> memref<1x128xi32, #tpu.memory_space<vmem>>
        %dma_start3A_126 = tpu.memref_squeeze %dma_start3A_125 : memref<1x128xi32, #tpu.memory_space<vmem>> -> memref<128xi32, #tpu.memory_space<vmem>>
        %dma_start3A_127 = arith.constant 0 : i32
        %dma_start3A_128 = arith.constant 0 : i32
        %dma_start3A_129 = tpu.memref_slice %arg19[%dma_start3A_127, %dma_start3A_128] : memref<10112x128xf32, #tpu.memory_space<vmem_shared>> -> memref<10112x128xf32, #tpu.memory_space<vmem_shared>>
        tpu.enqueue_indirect_dma source(%arg11 : memref<128x128xf32, #tpu.memory_space<vmem>>) target(%dma_start3A_129 : memref<10112x128xf32, #tpu.memory_space<vmem_shared>>) offsets(%dma_start3A_126 : memref<128xi32, #tpu.memory_space<vmem>>) semaphore(%run_scoped3A : memref<!tpu.dma_semaphore, #tpu.memory_space<semaphore_mem>>) {add = true}
        %dma_wait3A_130 = arith.constant 0 : i32
        %dma_wait3A_131 = tpu.memref_slice %arg9[%add3A_123, %dma_wait3A_130] : memref<40x128xi32, #tpu.memory_space<vmem>> -> memref<1x128xi32, #tpu.memory_space<vmem>>
        %dma_wait3A_132 = tpu.memref_squeeze %dma_wait3A_131 : memref<1x128xi32, #tpu.memory_space<vmem>> -> memref<128xi32, #tpu.memory_space<vmem>>
        %dma_wait3A_133 = arith.constant 0 : i32
        %dma_wait3A_134 = arith.constant 0 : i32
        %dma_wait3A_135 = tpu.memref_slice %arg19[%dma_wait3A_133, %dma_wait3A_134] : memref<10112x128xf32, #tpu.memory_space<vmem_shared>> -> memref<10112x128xf32, #tpu.memory_space<vmem_shared>>
        tpu.wait_indirect_dma semaphore(%run_scoped3A : memref<!tpu.dma_semaphore, #tpu.memory_space<semaphore_mem>>) src(%arg11 : memref<128x128xf32, #tpu.memory_space<vmem>>) dst(%dma_wait3A_135 : memref<10112x128xf32, #tpu.memory_space<vmem_shared>>)
        tpu.yield
      }) : () -> ()
      "tpu.region"() ({
        %run_scoped3A = tpu.sem_alloc : memref<!tpu.dma_semaphore, #tpu.memory_space<semaphore_mem>>
        %dma_start3A_124 = arith.constant 0 : i32
        %dma_start3A_125 = tpu.memref_slice %arg8[%add3A_123, %dma_start3A_124] : memref<40x128xi32, #tpu.memory_space<vmem>> -> memref<1x128xi32, #tpu.memory_space<vmem>>
        %dma_start3A_126 = tpu.memref_squeeze %dma_start3A_125 : memref<1x128xi32, #tpu.memory_space<vmem>> -> memref<128xi32, #tpu.memory_space<vmem>>
        %dma_start3A_127 = arith.constant 0 : i32
        %dma_start3A_128 = tpu.memref_slice %arg20[%dma_start3A_127] : memref<10112xf32, #tpu.memory_space<vmem_shared>> -> memref<10112xf32, #tpu.memory_space<vmem_shared>>
        tpu.enqueue_indirect_dma source(%arg13 : memref<128xf32, #tpu.memory_space<vmem>>) target(%dma_start3A_128 : memref<10112xf32, #tpu.memory_space<vmem_shared>>) offsets(%dma_start3A_126 : memref<128xi32, #tpu.memory_space<vmem>>) semaphore(%run_scoped3A : memref<!tpu.dma_semaphore, #tpu.memory_space<semaphore_mem>>) {add = true}
        %dma_wait3A_129 = arith.constant 0 : i32
        %dma_wait3A_130 = tpu.memref_slice %arg8[%add3A_123, %dma_wait3A_129] : memref<40x128xi32, #tpu.memory_space<vmem>> -> memref<1x128xi32, #tpu.memory_space<vmem>>
        %dma_wait3A_131 = tpu.memref_squeeze %dma_wait3A_130 : memref<1x128xi32, #tpu.memory_space<vmem>> -> memref<128xi32, #tpu.memory_space<vmem>>
        %dma_wait3A_132 = arith.constant 0 : i32
        %dma_wait3A_133 = tpu.memref_slice %arg20[%dma_wait3A_132] : memref<10112xf32, #tpu.memory_space<vmem_shared>> -> memref<10112xf32, #tpu.memory_space<vmem_shared>>
        tpu.wait_indirect_dma semaphore(%run_scoped3A : memref<!tpu.dma_semaphore, #tpu.memory_space<semaphore_mem>>) src(%arg13 : memref<128xf32, #tpu.memory_space<vmem>>) dst(%dma_wait3A_133 : memref<10112xf32, #tpu.memory_space<vmem_shared>>)
        tpu.yield
      }) : () -> ()
    }
    %scan3A_49 = arith.constant 20 : i32
    %mul3A_50 = arith.constant 80 : i32
    %mul3A_51 = arith.muli %add3A, %mul3A_50 : i32
    %add3A_52 = arith.constant 40 : i32
    %add3A_53 = arith.addi %mul3A_51, %add3A_52 : i32
    "tpu.region"() ({
      %run_scoped3A = tpu.sem_alloc : memref<!tpu.dma_semaphore, #tpu.memory_space<semaphore_mem>>
      %dma_start3A_81 = arith.constant 0 : i32
      %dma_start3A_82 = tpu.memref_slice %arg2[%add3A_53, %dma_start3A_81] : memref<2560x128xi32, #tpu.memory_space<hbm>> -> memref<40x128xi32, #tpu.memory_space<hbm>>
      %dma_start3A_83 = arith.constant 0 : i32
      %dma_start3A_84 = tpu.memref_slice %arg2[%add3A_53, %dma_start3A_83] : memref<2560x128xi32, #tpu.memory_space<hbm>> -> memref<40x128xi32, #tpu.memory_space<hbm>>
      tpu.enqueue_dma source(%dma_start3A_84 : memref<40x128xi32, #tpu.memory_space<hbm>>) target(%arg8 : memref<40x128xi32, #tpu.memory_space<vmem>>) target_semaphore(%run_scoped3A : memref<!tpu.dma_semaphore, #tpu.memory_space<semaphore_mem>>)
      %dma_wait3A = arith.constant 0 : i32
      %dma_wait3A_85 = tpu.memref_slice %arg2[%add3A_53, %dma_wait3A] : memref<2560x128xi32, #tpu.memory_space<hbm>> -> memref<40x128xi32, #tpu.memory_space<hbm>>
      %dma_wait3A_86 = arith.constant 0 : i32
      %dma_wait3A_87 = tpu.memref_slice %arg2[%add3A_53, %dma_wait3A_86] : memref<2560x128xi32, #tpu.memory_space<hbm>> -> memref<40x128xi32, #tpu.memory_space<hbm>>
      tpu.wait_dma2 semaphore(%run_scoped3A : memref<!tpu.dma_semaphore, #tpu.memory_space<semaphore_mem>>) src(%dma_wait3A_87 : memref<40x128xi32, #tpu.memory_space<hbm>>) dst(%arg8 : memref<40x128xi32, #tpu.memory_space<vmem>>)
      tpu.yield
    }) : () -> ()
    %mul3A_54 = arith.constant 80 : i32
    %mul3A_55 = arith.muli %add3A, %mul3A_54 : i32
    %add3A_56 = arith.constant 40 : i32
    %add3A_57 = arith.addi %mul3A_55, %add3A_56 : i32
    "tpu.region"() ({
      %run_scoped3A = tpu.sem_alloc : memref<!tpu.dma_semaphore, #tpu.memory_space<semaphore_mem>>
      %dma_start3A_81 = arith.constant 0 : i32
      %dma_start3A_82 = tpu.memref_slice %arg3[%add3A_57, %dma_start3A_81] : memref<2560x128xi32, #tpu.memory_space<hbm>> -> memref<40x128xi32, #tpu.memory_space<hbm>>
      %dma_start3A_83 = arith.constant 0 : i32
      %dma_start3A_84 = tpu.memref_slice %arg3[%add3A_57, %dma_start3A_83] : memref<2560x128xi32, #tpu.memory_space<hbm>> -> memref<40x128xi32, #tpu.memory_space<hbm>>
      tpu.enqueue_dma source(%dma_start3A_84 : memref<40x128xi32, #tpu.memory_space<hbm>>) target(%arg9 : memref<40x128xi32, #tpu.memory_space<vmem>>) target_semaphore(%run_scoped3A : memref<!tpu.dma_semaphore, #tpu.memory_space<semaphore_mem>>)
      %dma_wait3A = arith.constant 0 : i32
      %dma_wait3A_85 = tpu.memref_slice %arg3[%add3A_57, %dma_wait3A] : memref<2560x128xi32, #tpu.memory_space<hbm>> -> memref<40x128xi32, #tpu.memory_space<hbm>>
      %dma_wait3A_86 = arith.constant 0 : i32
      %dma_wait3A_87 = tpu.memref_slice %arg3[%add3A_57, %dma_wait3A_86] : memref<2560x128xi32, #tpu.memory_space<hbm>> -> memref<40x128xi32, #tpu.memory_space<hbm>>
      tpu.wait_dma2 semaphore(%run_scoped3A : memref<!tpu.dma_semaphore, #tpu.memory_space<semaphore_mem>>) src(%dma_wait3A_87 : memref<40x128xi32, #tpu.memory_space<hbm>>) dst(%arg9 : memref<40x128xi32, #tpu.memory_space<vmem>>)
      tpu.yield
    }) : () -> ()
    %dma_start3A_58 = arith.constant 0 : i32
    %dma_start3A_59 = arith.constant 0 : i32
    %dma_start3A_60 = tpu.memref_slice %arg8[%dma_start3A_58, %dma_start3A_59] : memref<40x128xi32, #tpu.memory_space<vmem>> -> memref<1x128xi32, #tpu.memory_space<vmem>>
    %dma_start3A_61 = tpu.memref_squeeze %dma_start3A_60 : memref<1x128xi32, #tpu.memory_space<vmem>> -> memref<128xi32, #tpu.memory_space<vmem>>
    %dma_start3A_62 = arith.constant 0 : i32
    %dma_start3A_63 = arith.constant 0 : i32
    %dma_start3A_64 = tpu.memref_slice %arg4[%dma_start3A_62, %dma_start3A_63] : memref<10112x128xf32, #tpu.memory_space<hbm>> -> memref<10112x128xf32, #tpu.memory_space<hbm>>
    tpu.enqueue_indirect_dma source(%dma_start3A_64 : memref<10112x128xf32, #tpu.memory_space<hbm>>) target(%arg10 : memref<128x128xf32, #tpu.memory_space<vmem>>) offsets(%dma_start3A_61 : memref<128xi32, #tpu.memory_space<vmem>>) semaphore(%arg15 : memref<!tpu.dma_semaphore, #tpu.memory_space<semaphore_mem>>)
    %dma_start3A_65 = arith.constant 0 : i32
    %dma_start3A_66 = arith.constant 0 : i32
    %dma_start3A_67 = tpu.memref_slice %arg9[%dma_start3A_65, %dma_start3A_66] : memref<40x128xi32, #tpu.memory_space<vmem>> -> memref<1x128xi32, #tpu.memory_space<vmem>>
    %dma_start3A_68 = tpu.memref_squeeze %dma_start3A_67 : memref<1x128xi32, #tpu.memory_space<vmem>> -> memref<128xi32, #tpu.memory_space<vmem>>
    %dma_start3A_69 = arith.constant 0 : i32
    %dma_start3A_70 = tpu.memref_slice %arg5[%dma_start3A_69] : memref<10112xf32, #tpu.memory_space<hbm>> -> memref<10112xf32, #tpu.memory_space<hbm>>
    tpu.enqueue_indirect_dma source(%dma_start3A_70 : memref<10112xf32, #tpu.memory_space<hbm>>) target(%arg12 : memref<128xf32, #tpu.memory_space<vmem>>) offsets(%dma_start3A_68 : memref<128xi32, #tpu.memory_space<vmem>>) semaphore(%arg17 : memref<!tpu.dma_semaphore, #tpu.memory_space<semaphore_mem>>)
    %scan3A_71 = arith.constant 0 : i32
    %scan3A_72 = arith.constant 0 : i32
    %scan3A_73 = arith.constant 20 : i32
    %scan3A_74 = arith.addi %scan3A_72, %scan3A_73 : i32
    %scan3A_75 = arith.constant 1 : i32
    scf.for %scan3A_81 = %scan3A_72 to %scan3A_74 step %scan3A_75  : i32 {
      %mul3A_82 = arith.constant 2 : i32
      %mul3A_83 = arith.muli %mul3A_82, %scan3A_81 : i32
      %add3A_84 = arith.constant 1 : i32
      %add3A_85 = arith.addi %mul3A_83, %add3A_84 : i32
      %dma_start3A_86 = arith.constant 0 : i32
      %dma_start3A_87 = tpu.memref_slice %arg8[%add3A_85, %dma_start3A_86] : memref<40x128xi32, #tpu.memory_space<vmem>> -> memref<1x128xi32, #tpu.memory_space<vmem>>
      %dma_start3A_88 = tpu.memref_squeeze %dma_start3A_87 : memref<1x128xi32, #tpu.memory_space<vmem>> -> memref<128xi32, #tpu.memory_space<vmem>>
      %dma_start3A_89 = arith.constant 0 : i32
      %dma_start3A_90 = arith.constant 0 : i32
      %dma_start3A_91 = tpu.memref_slice %arg4[%dma_start3A_89, %dma_start3A_90] : memref<10112x128xf32, #tpu.memory_space<hbm>> -> memref<10112x128xf32, #tpu.memory_space<hbm>>
      tpu.enqueue_indirect_dma source(%dma_start3A_91 : memref<10112x128xf32, #tpu.memory_space<hbm>>) target(%arg11 : memref<128x128xf32, #tpu.memory_space<vmem>>) offsets(%dma_start3A_88 : memref<128xi32, #tpu.memory_space<vmem>>) semaphore(%arg16 : memref<!tpu.dma_semaphore, #tpu.memory_space<semaphore_mem>>)
      %dma_start3A_92 = arith.constant 0 : i32
      %dma_start3A_93 = tpu.memref_slice %arg9[%add3A_85, %dma_start3A_92] : memref<40x128xi32, #tpu.memory_space<vmem>> -> memref<1x128xi32, #tpu.memory_space<vmem>>
      %dma_start3A_94 = tpu.memref_squeeze %dma_start3A_93 : memref<1x128xi32, #tpu.memory_space<vmem>> -> memref<128xi32, #tpu.memory_space<vmem>>
      %dma_start3A_95 = arith.constant 0 : i32
      %dma_start3A_96 = tpu.memref_slice %arg5[%dma_start3A_95] : memref<10112xf32, #tpu.memory_space<hbm>> -> memref<10112xf32, #tpu.memory_space<hbm>>
      tpu.enqueue_indirect_dma source(%dma_start3A_96 : memref<10112xf32, #tpu.memory_space<hbm>>) target(%arg13 : memref<128xf32, #tpu.memory_space<vmem>>) offsets(%dma_start3A_94 : memref<128xi32, #tpu.memory_space<vmem>>) semaphore(%arg18 : memref<!tpu.dma_semaphore, #tpu.memory_space<semaphore_mem>>)
      %dma_wait3A = arith.constant 0 : i32
      %dma_wait3A_97 = arith.constant 0 : i32
      %dma_wait3A_98 = tpu.memref_slice %arg4[%dma_wait3A, %dma_wait3A_97] : memref<10112x128xf32, #tpu.memory_space<hbm>> -> memref<128x128xf32, #tpu.memory_space<hbm>>
      %dma_wait3A_99 = arith.constant 0 : i32
      %dma_wait3A_100 = arith.constant 0 : i32
      %dma_wait3A_101 = tpu.memref_slice %arg4[%dma_wait3A_99, %dma_wait3A_100] : memref<10112x128xf32, #tpu.memory_space<hbm>> -> memref<128x128xf32, #tpu.memory_space<hbm>>
      tpu.wait_dma2 semaphore(%arg15 : memref<!tpu.dma_semaphore, #tpu.memory_space<semaphore_mem>>) src(%dma_wait3A_101 : memref<128x128xf32, #tpu.memory_space<hbm>>) dst(%arg10 : memref<128x128xf32, #tpu.memory_space<vmem>>)
      %dma_wait3A_102 = arith.constant 0 : i32
      %dma_wait3A_103 = tpu.memref_slice %arg5[%dma_wait3A_102] : memref<10112xf32, #tpu.memory_space<hbm>> -> memref<128xf32, #tpu.memory_space<hbm>>
      %dma_wait3A_104 = arith.constant 0 : i32
      %dma_wait3A_105 = tpu.memref_slice %arg5[%dma_wait3A_104] : memref<10112xf32, #tpu.memory_space<hbm>> -> memref<128xf32, #tpu.memory_space<hbm>>
      tpu.wait_dma2 semaphore(%arg17 : memref<!tpu.dma_semaphore, #tpu.memory_space<semaphore_mem>>) src(%dma_wait3A_105 : memref<128xf32, #tpu.memory_space<hbm>>) dst(%arg12 : memref<128xf32, #tpu.memory_space<vmem>>)
      %mul3A_106 = arith.constant 2 : i32
      %mul3A_107 = arith.muli %mul3A_106, %scan3A_81 : i32
      "tpu.region"() ({
        %run_scoped3A = tpu.sem_alloc : memref<!tpu.dma_semaphore, #tpu.memory_space<semaphore_mem>>
        %dma_start3A_124 = arith.constant 0 : i32
        %dma_start3A_125 = tpu.memref_slice %arg9[%mul3A_107, %dma_start3A_124] : memref<40x128xi32, #tpu.memory_space<vmem>> -> memref<1x128xi32, #tpu.memory_space<vmem>>
        %dma_start3A_126 = tpu.memref_squeeze %dma_start3A_125 : memref<1x128xi32, #tpu.memory_space<vmem>> -> memref<128xi32, #tpu.memory_space<vmem>>
        %dma_start3A_127 = arith.constant 0 : i32
        %dma_start3A_128 = arith.constant 0 : i32
        %dma_start3A_129 = tpu.memref_slice %arg19[%dma_start3A_127, %dma_start3A_128] : memref<10112x128xf32, #tpu.memory_space<vmem_shared>> -> memref<10112x128xf32, #tpu.memory_space<vmem_shared>>
        tpu.enqueue_indirect_dma source(%arg10 : memref<128x128xf32, #tpu.memory_space<vmem>>) target(%dma_start3A_129 : memref<10112x128xf32, #tpu.memory_space<vmem_shared>>) offsets(%dma_start3A_126 : memref<128xi32, #tpu.memory_space<vmem>>) semaphore(%run_scoped3A : memref<!tpu.dma_semaphore, #tpu.memory_space<semaphore_mem>>) {add = true}
        %dma_wait3A_130 = arith.constant 0 : i32
        %dma_wait3A_131 = tpu.memref_slice %arg9[%mul3A_107, %dma_wait3A_130] : memref<40x128xi32, #tpu.memory_space<vmem>> -> memref<1x128xi32, #tpu.memory_space<vmem>>
        %dma_wait3A_132 = tpu.memref_squeeze %dma_wait3A_131 : memref<1x128xi32, #tpu.memory_space<vmem>> -> memref<128xi32, #tpu.memory_space<vmem>>
        %dma_wait3A_133 = arith.constant 0 : i32
        %dma_wait3A_134 = arith.constant 0 : i32
        %dma_wait3A_135 = tpu.memref_slice %arg19[%dma_wait3A_133, %dma_wait3A_134] : memref<10112x128xf32, #tpu.memory_space<vmem_shared>> -> memref<10112x128xf32, #tpu.memory_space<vmem_shared>>
        tpu.wait_indirect_dma semaphore(%run_scoped3A : memref<!tpu.dma_semaphore, #tpu.memory_space<semaphore_mem>>) src(%arg10 : memref<128x128xf32, #tpu.memory_space<vmem>>) dst(%dma_wait3A_135 : memref<10112x128xf32, #tpu.memory_space<vmem_shared>>)
        tpu.yield
      }) : () -> ()
      "tpu.region"() ({
        %run_scoped3A = tpu.sem_alloc : memref<!tpu.dma_semaphore, #tpu.memory_space<semaphore_mem>>
        %dma_start3A_124 = arith.constant 0 : i32
        %dma_start3A_125 = tpu.memref_slice %arg8[%mul3A_107, %dma_start3A_124] : memref<40x128xi32, #tpu.memory_space<vmem>> -> memref<1x128xi32, #tpu.memory_space<vmem>>
        %dma_start3A_126 = tpu.memref_squeeze %dma_start3A_125 : memref<1x128xi32, #tpu.memory_space<vmem>> -> memref<128xi32, #tpu.memory_space<vmem>>
        %dma_start3A_127 = arith.constant 0 : i32
        %dma_start3A_128 = tpu.memref_slice %arg20[%dma_start3A_127] : memref<10112xf32, #tpu.memory_space<vmem_shared>> -> memref<10112xf32, #tpu.memory_space<vmem_shared>>
        tpu.enqueue_indirect_dma source(%arg12 : memref<128xf32, #tpu.memory_space<vmem>>) target(%dma_start3A_128 : memref<10112xf32, #tpu.memory_space<vmem_shared>>) offsets(%dma_start3A_126 : memref<128xi32, #tpu.memory_space<vmem>>) semaphore(%run_scoped3A : memref<!tpu.dma_semaphore, #tpu.memory_space<semaphore_mem>>) {add = true}
        %dma_wait3A_129 = arith.constant 0 : i32
        %dma_wait3A_130 = tpu.memref_slice %arg8[%mul3A_107, %dma_wait3A_129] : memref<40x128xi32, #tpu.memory_space<vmem>> -> memref<1x128xi32, #tpu.memory_space<vmem>>
        %dma_wait3A_131 = tpu.memref_squeeze %dma_wait3A_130 : memref<1x128xi32, #tpu.memory_space<vmem>> -> memref<128xi32, #tpu.memory_space<vmem>>
        %dma_wait3A_132 = arith.constant 0 : i32
        %dma_wait3A_133 = tpu.memref_slice %arg20[%dma_wait3A_132] : memref<10112xf32, #tpu.memory_space<vmem_shared>> -> memref<10112xf32, #tpu.memory_space<vmem_shared>>
        tpu.wait_indirect_dma semaphore(%run_scoped3A : memref<!tpu.dma_semaphore, #tpu.memory_space<semaphore_mem>>) src(%arg12 : memref<128xf32, #tpu.memory_space<vmem>>) dst(%dma_wait3A_133 : memref<10112xf32, #tpu.memory_space<vmem_shared>>)
        tpu.yield
      }) : () -> ()
      %lt3A = arith.constant 19 : i32
      %lt3A_108 = arith.cmpi slt, %scan3A_81, %lt3A : i32
      %convert_element_type3A = arith.extui %lt3A_108 : i1 to i32
      %cond3A = arith.constant 0 : i32
      %cond3A_109 = arith.cmpi ne, %convert_element_type3A, %cond3A : i32
      scf.if %cond3A_109 {
        %mul3A_124 = arith.constant 2 : i32
        %mul3A_125 = arith.muli %mul3A_124, %scan3A_81 : i32
        %add3A_126 = arith.constant 2 : i32
        %add3A_127 = arith.addi %mul3A_125, %add3A_126 : i32
        %dma_start3A_128 = arith.constant 0 : i32
        %dma_start3A_129 = tpu.memref_slice %arg8[%add3A_127, %dma_start3A_128] : memref<40x128xi32, #tpu.memory_space<vmem>> -> memref<1x128xi32, #tpu.memory_space<vmem>>
        %dma_start3A_130 = tpu.memref_squeeze %dma_start3A_129 : memref<1x128xi32, #tpu.memory_space<vmem>> -> memref<128xi32, #tpu.memory_space<vmem>>
        %dma_start3A_131 = arith.constant 0 : i32
        %dma_start3A_132 = arith.constant 0 : i32
        %dma_start3A_133 = tpu.memref_slice %arg4[%dma_start3A_131, %dma_start3A_132] : memref<10112x128xf32, #tpu.memory_space<hbm>> -> memref<10112x128xf32, #tpu.memory_space<hbm>>
        tpu.enqueue_indirect_dma source(%dma_start3A_133 : memref<10112x128xf32, #tpu.memory_space<hbm>>) target(%arg10 : memref<128x128xf32, #tpu.memory_space<vmem>>) offsets(%dma_start3A_130 : memref<128xi32, #tpu.memory_space<vmem>>) semaphore(%arg15 : memref<!tpu.dma_semaphore, #tpu.memory_space<semaphore_mem>>)
        %dma_start3A_134 = arith.constant 0 : i32
        %dma_start3A_135 = tpu.memref_slice %arg9[%add3A_127, %dma_start3A_134] : memref<40x128xi32, #tpu.memory_space<vmem>> -> memref<1x128xi32, #tpu.memory_space<vmem>>
        %dma_start3A_136 = tpu.memref_squeeze %dma_start3A_135 : memref<1x128xi32, #tpu.memory_space<vmem>> -> memref<128xi32, #tpu.memory_space<vmem>>
        %dma_start3A_137 = arith.constant 0 : i32
        %dma_start3A_138 = tpu.memref_slice %arg5[%dma_start3A_137] : memref<10112xf32, #tpu.memory_space<hbm>> -> memref<10112xf32, #tpu.memory_space<hbm>>
        tpu.enqueue_indirect_dma source(%dma_start3A_138 : memref<10112xf32, #tpu.memory_space<hbm>>) target(%arg12 : memref<128xf32, #tpu.memory_space<vmem>>) offsets(%dma_start3A_136 : memref<128xi32, #tpu.memory_space<vmem>>) semaphore(%arg17 : memref<!tpu.dma_semaphore, #tpu.memory_space<semaphore_mem>>)
      } else {
      }
      %dma_wait3A_110 = arith.constant 0 : i32
      %dma_wait3A_111 = arith.constant 0 : i32
      %dma_wait3A_112 = tpu.memref_slice %arg4[%dma_wait3A_110, %dma_wait3A_111] : memref<10112x128xf32, #tpu.memory_space<hbm>> -> memref<128x128xf32, #tpu.memory_space<hbm>>
      %dma_wait3A_113 = arith.constant 0 : i32
      %dma_wait3A_114 = arith.constant 0 : i32
      %dma_wait3A_115 = tpu.memref_slice %arg4[%dma_wait3A_113, %dma_wait3A_114] : memref<10112x128xf32, #tpu.memory_space<hbm>> -> memref<128x128xf32, #tpu.memory_space<hbm>>
      tpu.wait_dma2 semaphore(%arg16 : memref<!tpu.dma_semaphore, #tpu.memory_space<semaphore_mem>>) src(%dma_wait3A_115 : memref<128x128xf32, #tpu.memory_space<hbm>>) dst(%arg11 : memref<128x128xf32, #tpu.memory_space<vmem>>)
      %dma_wait3A_116 = arith.constant 0 : i32
      %dma_wait3A_117 = tpu.memref_slice %arg5[%dma_wait3A_116] : memref<10112xf32, #tpu.memory_space<hbm>> -> memref<128xf32, #tpu.memory_space<hbm>>
      %dma_wait3A_118 = arith.constant 0 : i32
      %dma_wait3A_119 = tpu.memref_slice %arg5[%dma_wait3A_118] : memref<10112xf32, #tpu.memory_space<hbm>> -> memref<128xf32, #tpu.memory_space<hbm>>
      tpu.wait_dma2 semaphore(%arg18 : memref<!tpu.dma_semaphore, #tpu.memory_space<semaphore_mem>>) src(%dma_wait3A_119 : memref<128xf32, #tpu.memory_space<hbm>>) dst(%arg13 : memref<128xf32, #tpu.memory_space<vmem>>)
      %mul3A_120 = arith.constant 2 : i32
      %mul3A_121 = arith.muli %mul3A_120, %scan3A_81 : i32
      %add3A_122 = arith.constant 1 : i32
      %add3A_123 = arith.addi %mul3A_121, %add3A_122 : i32
      "tpu.region"() ({
        %run_scoped3A = tpu.sem_alloc : memref<!tpu.dma_semaphore, #tpu.memory_space<semaphore_mem>>
        %dma_start3A_124 = arith.constant 0 : i32
        %dma_start3A_125 = tpu.memref_slice %arg9[%add3A_123, %dma_start3A_124] : memref<40x128xi32, #tpu.memory_space<vmem>> -> memref<1x128xi32, #tpu.memory_space<vmem>>
        %dma_start3A_126 = tpu.memref_squeeze %dma_start3A_125 : memref<1x128xi32, #tpu.memory_space<vmem>> -> memref<128xi32, #tpu.memory_space<vmem>>
        %dma_start3A_127 = arith.constant 0 : i32
        %dma_start3A_128 = arith.constant 0 : i32
        %dma_start3A_129 = tpu.memref_slice %arg19[%dma_start3A_127, %dma_start3A_128] : memref<10112x128xf32, #tpu.memory_space<vmem_shared>> -> memref<10112x128xf32, #tpu.memory_space<vmem_shared>>
        tpu.enqueue_indirect_dma source(%arg11 : memref<128x128xf32, #tpu.memory_space<vmem>>) target(%dma_start3A_129 : memref<10112x128xf32, #tpu.memory_space<vmem_shared>>) offsets(%dma_start3A_126 : memref<128xi32, #tpu.memory_space<vmem>>) semaphore(%run_scoped3A : memref<!tpu.dma_semaphore, #tpu.memory_space<semaphore_mem>>) {add = true}
        %dma_wait3A_130 = arith.constant 0 : i32
        %dma_wait3A_131 = tpu.memref_slice %arg9[%add3A_123, %dma_wait3A_130] : memref<40x128xi32, #tpu.memory_space<vmem>> -> memref<1x128xi32, #tpu.memory_space<vmem>>
        %dma_wait3A_132 = tpu.memref_squeeze %dma_wait3A_131 : memref<1x128xi32, #tpu.memory_space<vmem>> -> memref<128xi32, #tpu.memory_space<vmem>>
        %dma_wait3A_133 = arith.constant 0 : i32
        %dma_wait3A_134 = arith.constant 0 : i32
        %dma_wait3A_135 = tpu.memref_slice %arg19[%dma_wait3A_133, %dma_wait3A_134] : memref<10112x128xf32, #tpu.memory_space<vmem_shared>> -> memref<10112x128xf32, #tpu.memory_space<vmem_shared>>
        tpu.wait_indirect_dma semaphore(%run_scoped3A : memref<!tpu.dma_semaphore, #tpu.memory_space<semaphore_mem>>) src(%arg11 : memref<128x128xf32, #tpu.memory_space<vmem>>) dst(%dma_wait3A_135 : memref<10112x128xf32, #tpu.memory_space<vmem_shared>>)
        tpu.yield
      }) : () -> ()
      "tpu.region"() ({
        %run_scoped3A = tpu.sem_alloc : memref<!tpu.dma_semaphore, #tpu.memory_space<semaphore_mem>>
        %dma_start3A_124 = arith.constant 0 : i32
        %dma_start3A_125 = tpu.memref_slice %arg8[%add3A_123, %dma_start3A_124] : memref<40x128xi32, #tpu.memory_space<vmem>> -> memref<1x128xi32, #tpu.memory_space<vmem>>
        %dma_start3A_126 = tpu.memref_squeeze %dma_start3A_125 : memref<1x128xi32, #tpu.memory_space<vmem>> -> memref<128xi32, #tpu.memory_space<vmem>>
        %dma_start3A_127 = arith.constant 0 : i32
        %dma_start3A_128 = tpu.memref_slice %arg20[%dma_start3A_127] : memref<10112xf32, #tpu.memory_space<vmem_shared>> -> memref<10112xf32, #tpu.memory_space<vmem_shared>>
        tpu.enqueue_indirect_dma source(%arg13 : memref<128xf32, #tpu.memory_space<vmem>>) target(%dma_start3A_128 : memref<10112xf32, #tpu.memory_space<vmem_shared>>) offsets(%dma_start3A_126 : memref<128xi32, #tpu.memory_space<vmem>>) semaphore(%run_scoped3A : memref<!tpu.dma_semaphore, #tpu.memory_space<semaphore_mem>>) {add = true}
        %dma_wait3A_129 = arith.constant 0 : i32
        %dma_wait3A_130 = tpu.memref_slice %arg8[%add3A_123, %dma_wait3A_129] : memref<40x128xi32, #tpu.memory_space<vmem>> -> memref<1x128xi32, #tpu.memory_space<vmem>>
        %dma_wait3A_131 = tpu.memref_squeeze %dma_wait3A_130 : memref<1x128xi32, #tpu.memory_space<vmem>> -> memref<128xi32, #tpu.memory_space<vmem>>
        %dma_wait3A_132 = arith.constant 0 : i32
        %dma_wait3A_133 = tpu.memref_slice %arg20[%dma_wait3A_132] : memref<10112xf32, #tpu.memory_space<vmem_shared>> -> memref<10112xf32, #tpu.memory_space<vmem_shared>>
        tpu.wait_indirect_dma semaphore(%run_scoped3A : memref<!tpu.dma_semaphore, #tpu.memory_space<semaphore_mem>>) src(%arg13 : memref<128xf32, #tpu.memory_space<vmem>>) dst(%dma_wait3A_133 : memref<10112xf32, #tpu.memory_space<vmem_shared>>)
        tpu.yield
      }) : () -> ()
    }
    %scan3A_76 = arith.constant 20 : i32
    %barrier3A_77 = arith.constant 0 : index
    tpu.barrier barrier_id(%barrier3A_77)
    "tpu.region"() ({
      %run_scoped3A = tpu.sem_alloc : memref<!tpu.dma_semaphore, #tpu.memory_space<semaphore_mem>>
      %dma_start3A_81 = arith.constant 0 : i32
      %dma_start3A_82 = tpu.memref_slice %arg6[%arg0, %mul3A_2, %dma_start3A_81] : memref<2x10112x128xf32, #tpu.memory_space<hbm>> -> memref<1x632x128xf32, #tpu.memory_space<hbm>>
      %dma_start3A_83 = tpu.memref_squeeze %dma_start3A_82 : memref<1x632x128xf32, #tpu.memory_space<hbm>> -> memref<632x128xf32, #tpu.memory_space<hbm>>
      %dma_start3A_84 = arith.constant 0 : i32
      %dma_start3A_85 = tpu.memref_slice %arg19[%mul3A_2, %dma_start3A_84] : memref<10112x128xf32, #tpu.memory_space<vmem_shared>> -> memref<632x128xf32, #tpu.memory_space<vmem_shared>>
      tpu.enqueue_dma source(%dma_start3A_85 : memref<632x128xf32, #tpu.memory_space<vmem_shared>>) target(%dma_start3A_83 : memref<632x128xf32, #tpu.memory_space<hbm>>) target_semaphore(%run_scoped3A : memref<!tpu.dma_semaphore, #tpu.memory_space<semaphore_mem>>)
      %dma_wait3A = arith.constant 0 : i32
      %dma_wait3A_86 = tpu.memref_slice %arg6[%arg0, %mul3A_2, %dma_wait3A] : memref<2x10112x128xf32, #tpu.memory_space<hbm>> -> memref<1x632x128xf32, #tpu.memory_space<hbm>>
      %dma_wait3A_87 = tpu.memref_squeeze %dma_wait3A_86 : memref<1x632x128xf32, #tpu.memory_space<hbm>> -> memref<632x128xf32, #tpu.memory_space<hbm>>
      %dma_wait3A_88 = arith.constant 0 : i32
      %dma_wait3A_89 = tpu.memref_slice %arg19[%mul3A_2, %dma_wait3A_88] : memref<10112x128xf32, #tpu.memory_space<vmem_shared>> -> memref<632x128xf32, #tpu.memory_space<vmem_shared>>
      tpu.wait_dma2 semaphore(%run_scoped3A : memref<!tpu.dma_semaphore, #tpu.memory_space<semaphore_mem>>) src(%dma_wait3A_89 : memref<632x128xf32, #tpu.memory_space<vmem_shared>>) dst(%dma_wait3A_87 : memref<632x128xf32, #tpu.memory_space<hbm>>)
      tpu.yield
    }) : () -> ()
    "tpu.region"() ({
      %run_scoped3A = tpu.sem_alloc : memref<!tpu.dma_semaphore, #tpu.memory_space<semaphore_mem>>
      %dma_start3A_81 = arith.constant 0 : i32
      %dma_start3A_82 = tpu.memref_slice %arg14[%dma_start3A_81] : memref<640xf32, #tpu.memory_space<vmem>> -> memref<632xf32, #tpu.memory_space<vmem>>
      %dma_start3A_83 = tpu.memref_slice %arg20[%mul3A_2] : memref<10112xf32, #tpu.memory_space<vmem_shared>> -> memref<632xf32, #tpu.memory_space<vmem_shared>>
      %dma_start3A_84 = arith.constant 0 : i32
      %dma_start3A_85 = tpu.memref_slice %arg14[%dma_start3A_84] : memref<640xf32, #tpu.memory_space<vmem>> -> memref<632xf32, #tpu.memory_space<vmem>>
      %dma_start3A_86 = tpu.memref_slice %arg20[%mul3A_2] : memref<10112xf32, #tpu.memory_space<vmem_shared>> -> memref<632xf32, #tpu.memory_space<vmem_shared>>
      tpu.enqueue_dma source(%dma_start3A_86 : memref<632xf32, #tpu.memory_space<vmem_shared>>) target(%dma_start3A_85 : memref<632xf32, #tpu.memory_space<vmem>>) target_semaphore(%run_scoped3A : memref<!tpu.dma_semaphore, #tpu.memory_space<semaphore_mem>>)
      %dma_wait3A = arith.constant 0 : i32
      %dma_wait3A_87 = tpu.memref_slice %arg14[%dma_wait3A] : memref<640xf32, #tpu.memory_space<vmem>> -> memref<632xf32, #tpu.memory_space<vmem>>
      %dma_wait3A_88 = tpu.memref_slice %arg20[%mul3A_2] : memref<10112xf32, #tpu.memory_space<vmem_shared>> -> memref<632xf32, #tpu.memory_space<vmem_shared>>
      %dma_wait3A_89 = arith.constant 0 : i32
      %dma_wait3A_90 = tpu.memref_slice %arg14[%dma_wait3A_89] : memref<640xf32, #tpu.memory_space<vmem>> -> memref<632xf32, #tpu.memory_space<vmem>>
      %dma_wait3A_91 = tpu.memref_slice %arg20[%mul3A_2] : memref<10112xf32, #tpu.memory_space<vmem_shared>> -> memref<632xf32, #tpu.memory_space<vmem_shared>>
      tpu.wait_dma2 semaphore(%run_scoped3A : memref<!tpu.dma_semaphore, #tpu.memory_space<semaphore_mem>>) src(%dma_wait3A_91 : memref<632xf32, #tpu.memory_space<vmem_shared>>) dst(%dma_wait3A_90 : memref<632xf32, #tpu.memory_space<vmem>>)
      tpu.yield
    }) : () -> ()
    %mul3A_78 = arith.constant 10112 : i32
    %mul3A_79 = arith.muli %arg0, %mul3A_78 : i32
    %add3A_80 = arith.addi %mul3A_79, %mul3A_2 : i32
    "tpu.region"() ({
      %run_scoped3A = tpu.sem_alloc : memref<!tpu.dma_semaphore, #tpu.memory_space<semaphore_mem>>
      %dma_start3A_81 = arith.constant 0 : i32
      %dma_start3A_82 = tpu.memref_slice %arg14[%dma_start3A_81] : memref<640xf32, #tpu.memory_space<vmem>> -> memref<632xf32, #tpu.memory_space<vmem>>
      %dma_start3A_83 = tpu.memref_slice %arg7[%add3A_80] : memref<20224xf32, #tpu.memory_space<hbm>> -> memref<632xf32, #tpu.memory_space<hbm>>
      %dma_start3A_84 = tpu.memref_slice %arg7[%add3A_80] : memref<20224xf32, #tpu.memory_space<hbm>> -> memref<632xf32, #tpu.memory_space<hbm>>
      %dma_start3A_85 = arith.constant 0 : i32
      %dma_start3A_86 = tpu.memref_slice %arg14[%dma_start3A_85] : memref<640xf32, #tpu.memory_space<vmem>> -> memref<632xf32, #tpu.memory_space<vmem>>
      tpu.enqueue_dma source(%dma_start3A_86 : memref<632xf32, #tpu.memory_space<vmem>>) target(%dma_start3A_84 : memref<632xf32, #tpu.memory_space<hbm>>) target_semaphore(%run_scoped3A : memref<!tpu.dma_semaphore, #tpu.memory_space<semaphore_mem>>)
      %dma_wait3A = arith.constant 0 : i32
      %dma_wait3A_87 = tpu.memref_slice %arg14[%dma_wait3A] : memref<640xf32, #tpu.memory_space<vmem>> -> memref<632xf32, #tpu.memory_space<vmem>>
      %dma_wait3A_88 = tpu.memref_slice %arg7[%add3A_80] : memref<20224xf32, #tpu.memory_space<hbm>> -> memref<632xf32, #tpu.memory_space<hbm>>
      %dma_wait3A_89 = tpu.memref_slice %arg7[%add3A_80] : memref<20224xf32, #tpu.memory_space<hbm>> -> memref<632xf32, #tpu.memory_space<hbm>>
      %dma_wait3A_90 = arith.constant 0 : i32
      %dma_wait3A_91 = tpu.memref_slice %arg14[%dma_wait3A_90] : memref<640xf32, #tpu.memory_space<vmem>> -> memref<632xf32, #tpu.memory_space<vmem>>
      tpu.wait_dma2 semaphore(%run_scoped3A : memref<!tpu.dma_semaphore, #tpu.memory_space<semaphore_mem>>) src(%dma_wait3A_91 : memref<632xf32, #tpu.memory_space<vmem>>) dst(%dma_wait3A_89 : memref<632xf32, #tpu.memory_space<hbm>>)
      tpu.yield
    }) : () -> ()
    return
  }
}

module attributes {stable_mosaic.version = 14 : i64} {
  func.func @_tc_prep_body(%arg0: memref<10000x128xf32, #tpu.memory_space<vmem>>, %arg1: memref<2x10112xf32, #tpu.memory_space<vmem>>, %arg2: memref<2x10112xf32, #tpu.memory_space<vmem>>, %arg3: memref<10112x128xf32, #tpu.memory_space<vmem>>, %arg4: memref<1x10112xf32, #tpu.memory_space<vmem>>) attributes {dimension_semantics = [], scalar_prefetch = 0 : i64, scratch_operands = 0 : i64, tpu.core_type = #tpu.core_type<tc>} {
    %get3A = arith.constant 0 : index
    %get3A_0 = arith.constant 0 : index
    %get3A_1 = vector.load %arg1[%get3A, %get3A_0] : memref<2x10112xf32, #tpu.memory_space<vmem>>, vector<2x10112xf32>
    %transpose3A = tpu.transpose %get3A_1, [1, 0] : vector<2x10112xf32> -> vector<10112x2xf32>
    %slice3A = vector.extract_strided_slice %transpose3A {offsets = [0, 0], sizes = [10112, 1], strides = [1, 1]} : vector<10112x2xf32> to vector<10112x1xf32>
    %slice3A_2 = vector.extract_strided_slice %transpose3A {offsets = [0, 1], sizes = [10112, 1], strides = [1, 1]} : vector<10112x2xf32> to vector<10112x1xf32>
    %add3A = arith.addf %slice3A, %slice3A_2 : vector<10112x1xf32>
    %max3A = arith.constant 1.000000e+00 : f32
    %max3A_3 = vector.broadcast %max3A : f32 to vector<10112x1xf32>
    %max3A_4 = arith.maximumf %add3A, %max3A_3 : vector<10112x1xf32>
    %rsqrt3A = math.rsqrt %max3A_4 : vector<10112x1xf32>
    %get3A_5 = arith.constant 0 : index
    %get3A_6 = arith.constant 0 : index
    %get3A_7 = vector.load %arg2[%get3A_5, %get3A_6] : memref<2x10112xf32, #tpu.memory_space<vmem>>, vector<2x10112xf32>
    %slice3A_8 = vector.extract_strided_slice %get3A_7 {offsets = [0, 0], sizes = [1, 10112], strides = [1, 1]} : vector<2x10112xf32> to vector<1x10112xf32>
    %slice3A_9 = vector.extract_strided_slice %get3A_7 {offsets = [1, 0], sizes = [1, 10112], strides = [1, 1]} : vector<2x10112xf32> to vector<1x10112xf32>
    %add3A_10 = arith.addf %slice3A_8, %slice3A_9 : vector<1x10112xf32>
    %max3A_11 = arith.constant 1.000000e+00 : f32
    %max3A_12 = vector.broadcast %max3A_11 : f32 to vector<1x10112xf32>
    %max3A_13 = arith.maximumf %add3A_10, %max3A_12 : vector<1x10112xf32>
    %rsqrt3A_14 = math.rsqrt %max3A_13 : vector<1x10112xf32>
    %swap3A = arith.constant 0 : index
    %swap3A_15 = arith.constant 0 : index
    %swap3A_16 = vector.load %arg4[%swap3A, %swap3A_15] : memref<1x10112xf32, #tpu.memory_space<vmem>>, vector<1x10112xf32>
    tpu.vector_store %arg4[%swap3A, %swap3A_15], %rsqrt3A_14 {strides = array<i32>} : memref<1x10112xf32, #tpu.memory_space<vmem>>, vector<1x10112xf32>,
    %get3A_17 = arith.constant 0 : index
    %get3A_18 = arith.constant 0 : index
    %get3A_19 = vector.load %arg0[%get3A_17, %get3A_18] : memref<10000x128xf32, #tpu.memory_space<vmem>>, vector<10000x128xf32>
    %slice3A_20 = vector.extract_strided_slice %rsqrt3A {offsets = [0, 0], sizes = [10000, 1], strides = [1, 1]} : vector<10112x1xf32> to vector<10000x1xf32>
    %mul3A = vector.broadcast %slice3A_20 : vector<10000x1xf32> to vector<10000x128xf32>
    %mul3A_21 = arith.mulf %get3A_19, %mul3A : vector<10000x128xf32>
    %swap3A_22 = arith.constant 0 : index
    %swap3A_23 = arith.constant 0 : index
    %swap3A_24 = vector.load %arg3[%swap3A_22, %swap3A_23] : memref<10112x128xf32, #tpu.memory_space<vmem>>, vector<10000x128xf32>
    tpu.vector_store %arg3[%swap3A_22, %swap3A_23], %mul3A_21 {strides = array<i32>} : memref<10112x128xf32, #tpu.memory_space<vmem>>, vector<10000x128xf32>,
    %broadcast_in_dim3A = arith.constant 0.000000e+00 : f32
    %broadcast_in_dim3A_25 = vector.broadcast %broadcast_in_dim3A : f32 to vector<112x128xf32>
    %swap3A_26 = arith.constant 10000 : index
    %swap3A_27 = arith.constant 0 : index
    %swap3A_28 = vector.load %arg3[%swap3A_26, %swap3A_27] : memref<10112x128xf32, #tpu.memory_space<vmem>>, vector<112x128xf32>
    tpu.vector_store %arg3[%swap3A_26, %swap3A_27], %broadcast_in_dim3A_25 {strides = array<i32>} : memref<10112x128xf32, #tpu.memory_space<vmem>>, vector<112x128xf32>,
    return
  }
}

module attributes {stable_mosaic.version = 14 : i64} {
  func.func @_tc_final_body(%arg0: memref<2x10112x128xf32, #tpu.memory_space<vmem>>, %arg1: memref<2x10112xf32, #tpu.memory_space<vmem>>, %arg2: memref<2x10112xf32, #tpu.memory_space<vmem>>, %arg3: memref<2x10112xf32, #tpu.memory_space<vmem>>, %arg4: memref<128x128xf32, #tpu.memory_space<vmem>>, %arg5: memref<128x128xf32, #tpu.memory_space<vmem>>, %arg6: memref<144x10xf32, #tpu.memory_space<vmem>>, %arg7: memref<1x128xf32, #tpu.memory_space<vmem>>, %arg8: memref<1x128xf32, #tpu.memory_space<vmem>>, %arg9: memref<1x10xf32, #tpu.memory_space<vmem>>, %arg10: memref<1x16xf32, #tpu.memory_space<vmem>>, %arg11: memref<1x10xf32, #tpu.memory_space<vmem>>) attributes {dimension_semantics = [], scalar_prefetch = 0 : i64, scratch_operands = 0 : i64, tpu.core_type = #tpu.core_type<tc>} {
    %get3A = arith.constant 0 : index
    %get3A_0 = arith.constant 0 : index
    %get3A_1 = arith.constant 0 : index
    %get3A_2 = vector.load %arg0[%get3A, %get3A_0, %get3A_1] : memref<2x10112x128xf32, #tpu.memory_space<vmem>>, vector<1x10112x128xf32>
    %get3A_3 = vector.shape_cast %get3A_2 : vector<1x10112x128xf32> to vector<10112x128xf32>
    %get3A_4 = arith.constant 1 : index
    %get3A_5 = arith.constant 0 : index
    %get3A_6 = arith.constant 0 : index
    %get3A_7 = vector.load %arg0[%get3A_4, %get3A_5, %get3A_6] : memref<2x10112x128xf32, #tpu.memory_space<vmem>>, vector<1x10112x128xf32>
    %get3A_8 = vector.shape_cast %get3A_7 : vector<1x10112x128xf32> to vector<10112x128xf32>
    %add3A = arith.addf %get3A_3, %get3A_8 : vector<10112x128xf32>
    %get3A_9 = arith.constant 0 : index
    %get3A_10 = arith.constant 0 : index
    %get3A_11 = vector.load %arg3[%get3A_9, %get3A_10] : memref<2x10112xf32, #tpu.memory_space<vmem>>, vector<2x10112xf32>
    %transpose3A = tpu.transpose %get3A_11, [1, 0] : vector<2x10112xf32> -> vector<10112x2xf32>
    %slice3A = vector.extract_strided_slice %transpose3A {offsets = [0, 0], sizes = [10112, 1], strides = [1, 1]} : vector<10112x2xf32> to vector<10112x1xf32>
    %slice3A_12 = vector.extract_strided_slice %transpose3A {offsets = [0, 1], sizes = [10112, 1], strides = [1, 1]} : vector<10112x2xf32> to vector<10112x1xf32>
    %add3A_13 = arith.addf %slice3A, %slice3A_12 : vector<10112x1xf32>
    %max3A = arith.constant 1.000000e+00 : f32
    %max3A_14 = vector.broadcast %max3A : f32 to vector<10112x1xf32>
    %max3A_15 = arith.maximumf %add3A_13, %max3A_14 : vector<10112x1xf32>
    %rsqrt3A = math.rsqrt %max3A_15 : vector<10112x1xf32>
    %get3A_16 = arith.constant 0 : index
    %get3A_17 = arith.constant 0 : index
    %get3A_18 = vector.load %arg2[%get3A_16, %get3A_17] : memref<2x10112xf32, #tpu.memory_space<vmem>>, vector<2x10112xf32>
    %slice3A_19 = vector.extract_strided_slice %get3A_18 {offsets = [0, 0], sizes = [1, 10112], strides = [1, 1]} : vector<2x10112xf32> to vector<1x10112xf32>
    %slice3A_20 = vector.extract_strided_slice %get3A_18 {offsets = [1, 0], sizes = [1, 10112], strides = [1, 1]} : vector<2x10112xf32> to vector<1x10112xf32>
    %add3A_21 = arith.addf %slice3A_19, %slice3A_20 : vector<1x10112xf32>
    %max3A_22 = arith.constant 1.000000e+00 : f32
    %max3A_23 = vector.broadcast %max3A_22 : f32 to vector<1x10112xf32>
    %max3A_24 = arith.maximumf %add3A_21, %max3A_23 : vector<1x10112xf32>
    %rsqrt3A_25 = math.rsqrt %max3A_24 : vector<1x10112xf32>
    %get3A_26 = arith.constant 0 : index
    %get3A_27 = arith.constant 0 : index
    %get3A_28 = vector.load %arg1[%get3A_26, %get3A_27] : memref<2x10112xf32, #tpu.memory_space<vmem>>, vector<1x10112xf32>
    %get3A_29 = arith.constant 1 : index
    %get3A_30 = arith.constant 0 : index
    %get3A_31 = vector.load %arg1[%get3A_29, %get3A_30] : memref<2x10112xf32, #tpu.memory_space<vmem>>, vector<1x10112xf32>
    %add3A_32 = arith.addf %get3A_28, %get3A_31 : vector<1x10112xf32>
    %iota3A = tpu.iota {dimensions = array<i32: 1>} : vector<1x10112xi32>
    %lt3A = arith.constant 10000 : i32
    %lt3A_33 = vector.broadcast %lt3A : i32 to vector<1x10112xi32>
    %lt3A_34 = arith.cmpi slt, %iota3A, %lt3A_33 : vector<1x10112xi32>
    %mul3A = arith.mulf %add3A_32, %rsqrt3A_25 : vector<1x10112xf32>
    %jit3A = arith.constant 0.000000e+00 : f32
    %broadcast_in_dim3A = vector.broadcast %jit3A : f32 to vector<1x10112xf32>
    %select_n3A = arith.select %lt3A_34, %mul3A, %broadcast_in_dim3A : vector<1x10112xi1>, vector<1x10112xf32>
    %get3A_35 = arith.constant 0 : index
    %get3A_36 = arith.constant 0 : index
    %get3A_37 = vector.load %arg4[%get3A_35, %get3A_36] : memref<128x128xf32, #tpu.memory_space<vmem>>, vector<128x128xf32>
    %dot_general3A = arith.constant dense<0.000000e+00> : vector<10112x128xf32>
    %dot_general3A_38 = tpu.matmul %add3A, %get3A_37, %dot_general3A {dimension_numbers = #tpu.dot_dimension_numbers<[1], [0], [0], [1], [0, 0, 1, 1], [], []>, transpose_lhs_hint = false} : vector<10112x128xf32>, vector<128x128xf32>, vector<10112x128xf32> -> vector<10112x128xf32>
    %mul3A_39 = vector.broadcast %rsqrt3A : vector<10112x1xf32> to vector<10112x128xf32>
    %mul3A_40 = arith.mulf %dot_general3A_38, %mul3A_39 : vector<10112x128xf32>
    %get3A_41 = arith.constant 0 : index
    %get3A_42 = arith.constant 0 : index
    %get3A_43 = vector.load %arg7[%get3A_41, %get3A_42] : memref<1x128xf32, #tpu.memory_space<vmem>>, vector<1x128xf32>
    %add3A_44 = vector.broadcast %get3A_43 : vector<1x128xf32> to vector<10112x128xf32>
    %add3A_45 = arith.addf %mul3A_40, %add3A_44 : vector<10112x128xf32>
    %max3A_46 = arith.constant 0.000000e+00 : f32
    %max3A_47 = vector.broadcast %max3A_46 : f32 to vector<10112x128xf32>
    %max3A_48 = arith.maximumf %add3A_45, %max3A_47 : vector<10112x128xf32>
    %dot_general3A_49 = arith.constant dense<0.000000e+00> : vector<1x128xf32>
    %dot_general3A_50 = tpu.matmul %select_n3A, %max3A_48, %dot_general3A_49 {dimension_numbers = #tpu.dot_dimension_numbers<[1], [0], [0], [1], [0, 0, 1, 1], [], []>, transpose_lhs_hint = false} : vector<1x10112xf32>, vector<10112x128xf32>, vector<1x128xf32> -> vector<1x128xf32>
    %get3A_51 = arith.constant 0 : index
    %get3A_52 = arith.constant 0 : index
    %get3A_53 = vector.load %arg5[%get3A_51, %get3A_52] : memref<128x128xf32, #tpu.memory_space<vmem>>, vector<128x128xf32>
    %dot_general3A_54 = arith.constant dense<0.000000e+00> : vector<1x128xf32>
    %dot_general3A_55 = tpu.matmul %dot_general3A_50, %get3A_53, %dot_general3A_54 {dimension_numbers = #tpu.dot_dimension_numbers<[1], [0], [0], [1], [0, 0, 1, 1], [], []>, transpose_lhs_hint = false} : vector<1x128xf32>, vector<128x128xf32>, vector<1x128xf32> -> vector<1x128xf32>
    %mul3A_56 = arith.constant 9.99999974E-5 : f32
    %mul3A_57 = vector.broadcast %mul3A_56 : f32 to vector<1x128xf32>
    %mul3A_58 = arith.mulf %dot_general3A_55, %mul3A_57 : vector<1x128xf32>
    %get3A_59 = arith.constant 0 : index
    %get3A_60 = arith.constant 0 : index
    %get3A_61 = vector.load %arg8[%get3A_59, %get3A_60] : memref<1x128xf32, #tpu.memory_space<vmem>>, vector<1x128xf32>
    %add3A_62 = arith.addf %mul3A_58, %get3A_61 : vector<1x128xf32>
    %get3A_63 = arith.constant 0 : index
    %get3A_64 = arith.constant 0 : index
    %get3A_65 = vector.load %arg6[%get3A_63, %get3A_64] : memref<144x10xf32, #tpu.memory_space<vmem>>, vector<128x10xf32>
    %dot_general3A_66 = arith.constant dense<0.000000e+00> : vector<1x10xf32>
    %dot_general3A_67 = tpu.matmul %add3A_62, %get3A_65, %dot_general3A_66 {dimension_numbers = #tpu.dot_dimension_numbers<[1], [0], [0], [1], [0, 0, 1, 1], [], []>, transpose_lhs_hint = false} : vector<1x128xf32>, vector<128x10xf32>, vector<1x10xf32> -> vector<1x10xf32>
    %get3A_68 = arith.constant 0 : index
    %get3A_69 = arith.constant 0 : index
    %get3A_70 = vector.load %arg10[%get3A_68, %get3A_69] : memref<1x16xf32, #tpu.memory_space<vmem>>, vector<1x16xf32>
    %get3A_71 = arith.constant 128 : index
    %get3A_72 = arith.constant 0 : index
    %get3A_73 = vector.load %arg6[%get3A_71, %get3A_72] : memref<144x10xf32, #tpu.memory_space<vmem>>, vector<16x10xf32>
    %dot_general3A_74 = arith.constant dense<0.000000e+00> : vector<1x10xf32>
    %dot_general3A_75 = tpu.matmul %get3A_70, %get3A_73, %dot_general3A_74 {dimension_numbers = #tpu.dot_dimension_numbers<[1], [0], [0], [1], [0, 0, 1, 1], [], []>, transpose_lhs_hint = false} : vector<1x16xf32>, vector<16x10xf32>, vector<1x10xf32> -> vector<1x10xf32>
    %add3A_76 = arith.addf %dot_general3A_67, %dot_general3A_75 : vector<1x10xf32>
    %get3A_77 = arith.constant 0 : index
    %get3A_78 = arith.constant 0 : index
    %get3A_79 = vector.load %arg9[%get3A_77, %get3A_78] : memref<1x10xf32, #tpu.memory_space<vmem>>, vector<1x10xf32>
    %add3A_80 = arith.addf %add3A_76, %get3A_79 : vector<1x10xf32>
    %swap3A = arith.constant 0 : index
    %swap3A_81 = arith.constant 0 : index
    %swap3A_82 = vector.load %arg11[%swap3A, %swap3A_81] : memref<1x10xf32, #tpu.memory_space<vmem>>, vector<1x10xf32>
    tpu.vector_store %arg11[%swap3A, %swap3A_81], %add3A_80 {strides = array<i32>} : memref<1x10xf32, #tpu.memory_space<vmem>>, vector<1x10xf32>,
    return
  }
}

</mosaic_0001>

<sc_bundles>
// kernel: kernel.6.cloned.1.call-start
scs
__scs_entry_jumppad:
0x0: {  	(pc) =	sbr.rel $0x88, $3  }
0x1: {  	(tag) =	ssettag $0x0;
	lr =	simm.s32 $0x1  }
0x2: {  	[smem:$0x3F98] =	sst lr;
	_ =	strace $0xD0000000  }
0x3: {  	_ = 	snop  }
0x4: {  	_ = 	snop  }
0x5: {  	_ = 	snop  }
0x6: {  	_ = 	snop  }
0x7: {  	_ = 	snop  }
__scs_overlays_trampoline_lowered:
0x8: {  	[smem:$0x3FA7] =	sst s0  }
0x9: {  	[smem:$0x3FA8] =	sst s1  }
0xa: {  	[smem:$0x3FA9] =	sst s2  }
0xb: {  	[smem:$0x3FAA] =	sst s3  }
0xc: {  	[smem:$0x3FAB] =	sst s4  }
0xd: {  	[smem:$0x3FAC] =	sst s5  }
0xe: {  	[smem:$0x3FAD] =	sst s6  }
0xf: {  	[smem:$0x3FAE] =	sst s7  }
0x10: {  	[smem:$0x3FAF] =	sst s8  }
0x11: {  	[smem:$0x3FB0] =	sst s9;
	s0 =	simm.s32 @!p0 $0x0  }
0x12: {  	s1 =	sld [smem:$0x3F96];
	s0 =	simm.s32 @p0 $0x1  }
0x13: {  	[smem:$0x3FB1] =	sst s0;
	s0 =	simm.s32 @!p1 $0x0  }
0x14: {  	s2 =	sld [smem:$0x3F95];
	s0 =	simm.s32 @p1 $0x1  }
0x15: {  	[smem:$0x3FB2] =	sst s0;
	s0 =	simm.s32 @!p2 $0x0  }
0x16: {  	s3 =	sld [smem:$0x3FDB];
	s0 =	simm.s32 @p2 $0x1  }
0x17: {  	s4 =	simm.s32 $0x1BF5;
	[smem:$0x3FB4] =	sst s0  }
0x18: {  	s0 =	sld [smem:$0x3F97];
	_ =	swait.ge [sflag:s4], $0x0  }
0x19: {  	s7 =	sld [smem:$0x3F98]  }
0x1a: {  	s8 =	sadd.s32 $0xFFFFE003, lr  }
0x1b: {  	s9 =	sadd.s32 $0xFFFFFEF7, lr;
	s5 =	simm.s32 $0xFFFFFFFF;
	p2 =	slt.u32 s8, $0xFFFFF086  }
0x1c: {  	p1 =	slt.u32 s9, $0xF7A;
	s5 =	simm.s32 @!p2 $0x0  }
0x1d: {  	s5 =	simm.s32 @p1 $0x1;
	p0 =	seq.s32 s7, s2  }
0x1e: {  	s7 =	smul.u32 @!p0 $0xF7A, s2;
	p2 =	seq.s32 @!p0 s5, $0x0  }
0x1f: {  	s9 =	smul.u32 $0xF7A, s1;
	s8 =	simm.s32 @!p0 $0x1BF5;
	p2 =	por !p2, p0  }
0x20: {  	[sflag:s8] =	ssyncset.s32 @!p0 $0xFFFFF086;
	s6 =	sadd.s32 @!p0 s3, s7;
	s7 =	simm.s32 @!p0 $0x108  }
0x21: {  	s3 =	sadd.s32 s3, s9;
	s6 =	sadd.s32 @!p0 $0x88, s6;
	s7 =	simm.s32 @p2 $0x1082  }
0x22: {  	[simem:s7], [sflag:s8] =	dma.local @!p0 [hbm:s6], $0xF7A  }
0x23: {  	s9 =	sor.u32 $0xD0000000, s2;
	s6 =	simm.s32 $0x108;
	_ =	swait.ge @!p0 [sflag:s8], $0x0  }
0x24: {  	s3 =	sadd.s32 $0x88, s3;
	s6 =	simm.s32 @!p1 $0x1082;
	[sflag:s4] =	ssyncset.s32 $0xFFFFF086  }
0x25: {  	[simem:s6], [sflag:s4] =	dma.local [hbm:s3], $0xF7A  }
0x26: {  	[smem:$0x3F98] =	sst s1;
	(tag) =	ssettag s2;
	_ =	strace s9  }
0x27: {  	s1 =	sld [smem:$0x3FA8]  }
0x28: {  	s2 =	sld [smem:$0x3FA9]  }
0x29: {  	s4 =	sld [smem:$0x3FAB]  }
0x2a: {  	p0 =	seq.s32 s5, $0x0;
	s5 =	sld [smem:$0x3FAC]  }
0x2b: {  	s6 =	sld [smem:$0x3FAD]  }
0x2c: {  	s7 =	sld [smem:$0x3FAE]  }
0x2d: {  	s3 =	simm.s32 $0x108;
	s8 =	sld [smem:$0x3FAF]  }
0x2e: {  	s3 =	simm.s32 @!p0 $0x1082;
	s9 =	sld [smem:$0x3FB0]  }
0x2f: {  	lr =	sadd.s32 s0, s3;
	s0 =	sld [smem:$0x3FA7]  }
0x30: {  	s3 =	sld [smem:$0x3FAA]  }
0x31: {  	[smem:$0x3FB3] =	sst s10  }
0x32: {  	s10 =	sld [smem:$0x3FB1];
	_ =	sdelay $0x3  }
0x33: {  	p0 =	seq.s32 s10, $0x1;
	s10 =	sld [smem:$0x3FB3];
	_ =	sdelay $0x3  }
0x34: {  	[smem:$0x3FB3] =	sst s10  }
0x35: {  	s10 =	sld [smem:$0x3FB2];
	_ =	sdelay $0x3  }
0x36: {  	p1 =	seq.s32 s10, $0x1;
	s10 =	sld [smem:$0x3FB3];
	_ =	sdelay $0x3  }
0x37: {  	[smem:$0x3FB3] =	sst s10  }
0x38: {  	s10 =	sld [smem:$0x3FB4]  }
0x39: {  	_ = 	snop;
	(pc) =	sbr.ind lr, $3  }
0x3a: {  	_ = 	snop  }
0x3b: {  	_ = 	snop  }
0x3c: {  	p2 =	seq.s32 s10, $0x1;
	s10 =	sld [smem:$0x3FB3]  }
0x3d: {  	_ =	shalt  }
0x3e: {  	_ =	shalt  }
0x3f: {  	_ =	shalt  }
0x40: {  	_ =	shalt  }
0x41: {  	_ =	shalt  }
0x42: {  	_ =	shalt  }
0x43: {  	_ =	shalt  }
0x44: {  	_ =	shalt  }
0x45: {  	_ =	shalt  }
0x46: {  	_ =	shalt  }
0x47: {  	_ =	shalt  }
0x48: {  	_ =	shalt  }
0x49: {  	_ =	shalt  }
0x4a: {  	_ =	shalt  }
0x4b: {  	_ =	shalt  }
0x4c: {  	_ =	shalt  }
0x4d: {  	_ =	shalt  }
0x4e: {  	_ =	shalt  }
0x4f: {  	_ =	shalt  }
0x50: {  	_ =	shalt  }
0x51: {  	_ =	shalt  }
0x52: {  	_ =	shalt  }
0x53: {  	_ =	shalt  }
0x54: {  	_ =	shalt  }
0x55: {  	_ =	shalt  }
0x56: {  	_ =	shalt  }
0x57: {  	_ =	shalt  }
0x58: {  	_ =	shalt  }
0x59: {  	_ =	shalt  }
0x5a: {  	_ =	shalt  }
0x5b: {  	_ =	shalt  }
0x5c: {  	_ =	shalt  }
0x5d: {  	_ =	shalt  }
0x5e: {  	_ =	shalt  }
0x5f: {  	_ =	shalt  }
0x60: {  	_ =	shalt  }
0x61: {  	_ =	shalt  }
0x62: {  	_ =	shalt  }
0x63: {  	_ =	shalt  }
0x64: {  	_ =	shalt  }
0x65: {  	_ =	shalt  }
0x66: {  	_ =	shalt  }
0x67: {  	_ =	shalt  }
0x68: {  	_ =	shalt  }
0x69: {  	_ =	shalt  }
0x6a: {  	_ =	shalt  }
0x6b: {  	_ =	shalt  }
0x6c: {  	_ =	shalt  }
0x6d: {  	_ =	shalt  }
0x6e: {  	_ =	shalt  }
0x6f: {  	_ =	shalt  }
0x70: {  	_ =	shalt  }
0x71: {  	_ =	shalt  }
0x72: {  	_ =	shalt  }
0x73: {  	_ =	shalt  }
0x74: {  	_ =	shalt  }
0x75: {  	_ =	shalt  }
0x76: {  	_ =	shalt  }
0x77: {  	_ =	shalt  }
0x78: {  	_ =	shalt  }
0x79: {  	_ =	shalt  }
0x7a: {  	_ =	shalt  }
0x7b: {  	_ =	shalt  }
0x7c: {  	_ =	shalt  }
0x7d: {  	_ =	shalt  }
0x7e: {  	_ =	shalt  }
0x7f: {  	_ =	shalt  }
0x80: {  	_ =	shalt  }
0x81: {  	_ =	shalt  }
0x82: {  	_ =	shalt  }
0x83: {  	_ =	shalt  }
0x84: {  	_ =	shalt  }
0x85: {  	_ =	shalt  }
0x86: {  	_ =	shalt  }
0x87: {  	_ =	shalt  }
.Lfunc_end0:
.L_simem_size_0:
called_computation_lowered:
.L_overlay_start_0:
0x88: {  	s2 =	sld [smem:$0x3FD9]  }
0x89: {  	s3 =	sld [smem:$0x3FFE];
	_ =	sdelay $0x1  }
0x8a: {  	s1 =	srdreg.scid  }
0x8b: {  	s0 =	sand.u32 $0x1, s1  }
0x8c: {  	s16 =	sshll.u32 s0, $0xA;
	s2 =	sadd.s32 s3, s2  }
0x8d: {  	s2 =	sadd.s32 s2, s16  }
0x8e: {  	[smem:$0x3FBF] =	sst s2  }
0x8f: {  	_ = 	snop  }
0x90: {  	(tm) =	ssettm $0x1  }
0x91: {  	s17 =	sld [smem:$0x3FFB];
	_ =	sdelay $0x3  }
0x92: {  	_ =	strace s17  }
0x93: {  	s2 =	sld [smem:$0x3FFC];
	_ =	sdelay $0x3  }
0x94: {  	_ =	strace s2  }
0x95: {  	s2 =	sld [smem:$0x3FFD];
	_ =	sdelay $0x3  }
0x96: {  	_ =	strace s2  }
0x97: {  	_ =	strace $0x8FFFFFFF  }
0x98: {  	s18 =	sld [smem:$0x3FDB];
	_ =	sdelay $0x1  }
0x99: {  	s19 =	simm.s32 $_scs_section_size  }
0x9a: {  	s4 =	simm.s32 $_size__tile_overlayer_lowered;
	s5 =	simm.s32 $_tile_overlayer_lowered  }
0x9b: {  	s22 =	simm.s32 $0x1BFF;
	s21 =	sshll.u32 s5, $0x1;
	s2 =	sadd.s32 s19, s18  }
0x9c: {  	s6 =	simm.s32 $0x0;
	s20 =	sshll.u32 s4, $0x1;
	s4 =	sadd.s32 s21, s2  }
0x9d: {  	[timem:s6], [sflag:s22] =	dma.local [hbm:s4], s20  }
0x9e: {  	_ =	swait.ge [sflag:s22], s20  }
0x9f: {  	s3 =	ssub.s32 $0x0, s20;
	[sflag:s22] =	ssyncset.done $0x0  }
0xa0: {  	[sflag:s22] =	ssyncadd.s32 s3;
	_ =	sdelay $0x1  }
0xa1: {  	s23 =	simm.s32 $0x1B8B  }
0xa2: {  	_ =	swait.ge [sflag:s23], $0x1  }
0xa3: {  	[sflag:s23] =	ssyncset.done $0x0  }
0xa4: {  	s25 =	simm.s32 $0x1B8E;
	s24 =	sld [smem:$0x3FFE];
	[sflag:s23] =	ssyncadd.s32 $0xFFFFFFFF  }
0xa5: {  	s26 =	simm.s32 $execute0_lowered;
	[smem:$0x3FD2] =	sst s25  }
0xa6: {  	s4 =	sshll.u32 s26, $0x1;
	_ =	strace $0x80000046;
	[dreg:$0x1] =	wrdreg $0xFFFFFFFF  }
0xa7: {  	s28 =	simm.s32 $_size_execute0_lowered;
	s2 =	sadd.s32 s2, s4;
	[dreg:$0x0] =	wrdreg $0x0  }
0xa8: {  	s4 =	sshll.u32 s28, $0x1;
	[dreg:$0x2] =	wrdreg s2  }
0xa9: {  	[dreg:$0x3] =	wrdreg s4  }
0xaa: {  	[dreg:$0x4] =	wrdreg $0xC0  }
0xab: {  	_ =	task [dreg:s6], $0x5FFFF  }
0xac: {  	[dreg:$0x1] =	wrdreg $0xFFFFFFFF  }
0xad: {  	[dreg:$0x0] =	wrdreg $0x60  }
0xae: {  	[dreg:$0x2] =	wrdreg s24  }
0xaf: {  	[dreg:$0x3] =	wrdreg $0x53000  }
0xb0: {  	[dreg:$0x4] =	wrdreg $0x55780  }
0xb1: {  	[dreg:$0x5] =	wrdreg $0x9  }
0xb2: {  	_ =	task.clear_ibuf [dreg:s6], $0x6FFFF;
	_ =	strace $0x90000046  }
0xb3: {  	s29 =	simm.s32 $0x9;
	_ =	strace $0x80000048  }
0xb4: {  	_ =	swait.ge [sflag:s29], $0x1  }
0xb5: {  	[sflag:s29] =	ssyncadd.s32 $0xFFFFFFFF  }
0xb6: {  	_ =	strace $0x90000048  }
0xb7: {  	_ =	sfence  }
0xb8: {  	s30 =	sld [smem:$0x0];
	_ =	sdelay $0x2  }
0xb9: {  	s31 =	sshll.u32 s1, $0xD;
	s1 =	sshrl.u32 s1, $0x2  }
0xba: {  	s3 =	sand.u32 $0x4000, s31;
	s1 =	sadd.s32 s1, s30  }
0xbb: {  	s0 =	sor.u32 s3, s0;
	s1 =	sshll.u32 s1, $0x11  }
0xbc: {  	s0 =	sor.u32 s1, s0  }
0xbd: {  	s0 =	sadd.s32 $0x8F2B, s0  }
0xbe: {  	[sflag:s0] =	ssyncadd.remote.s32 $0x1  }
0xbf: {  	_ =	sfence.sel $0xFFFF  }
0xc0: {  	[dreg:$0x0] =	wrdreg $0xFFFFFFFF;
	(pc) =	sbr.abs _section_cstart, $3  }
0xc1: {  	[dreg:$0x1] =	wrdreg $0xFFFFFFFF  }
0xc2: {  	_ =	task.clear_ibuf [dreg:s6], $0x2FFFF;
	_ =	strace $0x9FFFFFFF  }
0xc3: {  	(tm) =	ssettm $0x7FFFFFFF  }
tec
execute0_lowered:
.L_overlay_start_1:
0x0: {  	(tag) =	ssettag $0x1  }
0x1: {  	s5 =	rddreg [dreg:$0x0]  }
0x2: {  	s2 =	rddreg [dreg:$0x1]  }
0x3: {  	s3 =	rddreg [dreg:$0x2];
	s4 =	srdreg.scid  }
0x4: {  	s1 =	stileid.u32;
	s0 =	rddreg [dreg:$0x3];
	s13 =	simm.s32 $0x3  }
0x5: {  	s14 =	simm.s32 $0x2800;
	s15 =	simm.s32 $0x80;
	s16 =	simm.s32 $0x5000  }
0x6: {  	s17 =	simm.s32 $0x1;
	s18 =	simm.s32 $0x2;
	s19 =	simm.s32 $0x0  }
0x7: {  	s6 =	sand.u32 $0x1, s4;
	s7 =	smul.u32 $0x278, s1;
	s4 =	simm.s32 $0x0  }
0x8: {  	s8 =	sshll.u32 s6, $0x4;
	s9 =	smul.u32 $0x2780, s6;
	[smem:$0x7FF] =	sst s4  }
0x9: {  	s6 =	ssub.s32 $0x2, s6;
	s8 =	sor.u32 s1, s8;
	_ =	strace $0x80000047  }
0xa: {  	s10 =	sshrl.u32 s6, $0x1;
	s8 =	smul.u32 $0x500, s8;
	s9 =	sadd.s32 s7, s9  }
0xb: {  	s12 =	ssub.s32 s6, s10;
	s6 =	sadd.s32 s7, s3;
	s9 =	sshrl.u32 s9, $0x3  }
0xc: {  	s8 =	sadd.s32 s8, s5;
	s11 =	sadd.s32 s9, s5;
	s5 =	sadd.s32 s7, s2  }
0xd: {  	s7 =	sadd.s32 $0xC000, s8;
	s8 =	sadd.s32 $0x2000, s8;
	s9 =	sadd.s32 $0x16000, s11  }
0xe: {  	v0 =	vimm.f32 $1.000000000e+00;
	v1 =	vimm.f32 $0.0e+00;
	s10 =	sadd.s32 $0x16A00, s11;
	s11 =	smax.u32 s12, $0x1;
	s12 =	simm.s32 $0x5080  }
.LBB2_1:
0xf: {  	[tilespmem:$0x5000] =	vst v0  }
0x10: {  	[tilespmem:$0x5010] =	vst v0  }
0x11: {  	[tilespmem:$0x5020] =	vst v0  }
0x12: {  	[tilespmem:$0x5030] =	vst v0  }
0x13: {  	[tilespmem:$0x5040] =	vst v0  }
0x14: {  	[tilespmem:$0x5050] =	vst v0  }
0x15: {  	[tilespmem:$0x5060] =	vst v0  }
0x16: {  	[tilespmem:$0x5070] =	vst v0  }
0x17: {  	[tilespmem:$0x5080] =	vst v1  }
0x18: {  	[tilespmem:$0x5090] =	vst v1  }
0x19: {  	[tilespmem:$0x50A0] =	vst v1  }
0x1a: {  	[tilespmem:$0x50B0] =	vst v1  }
0x1b: {  	[tilespmem:$0x50C0] =	vst v1  }
0x1c: {  	[tilespmem:$0x50D0] =	vst v1  }
0x1d: {  	[tilespmem:$0x50E0] =	vst v1  }
0x1e: {  	[tilespmem:$0x50F0] =	vst v1  }
0x1f: {  	[tilespmem:$0x5100] =	vst v1  }
0x20: {  	[tilespmem:$0x5110] =	vst v1  }
0x21: {  	[tilespmem:$0x5120] =	vst v1  }
0x22: {  	[tilespmem:$0x5130] =	vst v1  }
0x23: {  	[tilespmem:$0x5140] =	vst v1  }
0x24: {  	[tilespmem:$0x5150] =	vst v1  }
0x25: {  	[tilespmem:$0x5160] =	vst v1  }
0x26: {  	[tilespmem:$0x5170] =	vst v1  }
0x27: {  	[tilespmem:$0x5180] =	vst v1  }
0x28: {  	[tilespmem:$0x5190] =	vst v1  }
0x29: {  	[tilespmem:$0x51A0] =	vst v1  }
0x2a: {  	[tilespmem:$0x51B0] =	vst v1  }
0x2b: {  	[tilespmem:$0x51C0] =	vst v1  }
0x2c: {  	[tilespmem:$0x51D0] =	vst v1  }
0x2d: {  	[tilespmem:$0x51E0] =	vst v1  }
0x2e: {  	[tilespmem:$0x51F0] =	vst v1  }
0x2f: {  	[tilespmem:$0x5200] =	vst v1  }
0x30: {  	[tilespmem:$0x5210] =	vst v1  }
0x31: {  	[tilespmem:$0x5220] =	vst v1  }
0x32: {  	[tilespmem:$0x5230] =	vst v1  }
0x33: {  	[tilespmem:$0x5240] =	vst v1  }
0x34: {  	[tilespmem:$0x5250] =	vst v1  }
0x35: {  	[tilespmem:$0x5260] =	vst v1  }
0x36: {  	[tilespmem:$0x5270] =	vst v1  }
0x37: {  	[tilespmem:$0x5280] =	vst v1  }
0x38: {  	[tilespmem:$0x5290] =	vst v1  }
0x39: {  	[tilespmem:$0x52A0] =	vst v1  }
0x3a: {  	[tilespmem:$0x52B0] =	vst v1  }
0x3b: {  	[tilespmem:$0x52C0] =	vst v1  }
0x3c: {  	[tilespmem:$0x52D0] =	vst v1  }
0x3d: {  	[tilespmem:$0x52E0] =	vst v1  }
0x3e: {  	[tilespmem:$0x52F0] =	vst v1  }
0x3f: {  	[spmem:s5] =	stream.linear.scatter [tilespmem:s12], [sflag:$0x3], $0x278, $0x38;
	[tilespmem:$0x57F0] =	vst v63  }
0x40: {  	_ =	swait.ge [sflag:s13], $0x278  }
0x41: {  	[sflag:s13] =	ssyncset.done $0x0  }
0x42: {  	[sflag:s13] =	ssyncadd.s32 $0xFFFFFD88  }
0x43: {  	[spmem:s6] =	stream.linear.scatter [tilespmem:s12], [sflag:$0x3], $0x278, $0x38;
	[tilespmem:$0x57F0] =	vst v63  }
0x44: {  	_ =	swait.ge [sflag:s13], $0x278  }
0x45: {  	[sflag:s13] =	ssyncset.done $0x0  }
0x46: {  	[sflag:s13] =	ssyncadd.s32 $0xFFFFFD88  }
0x47: {  	[bflag:$0x0] =	sbarrier.arrive $0xFFFF  }
0x48: {  	[tilespmem:s4], [sflag:$0x3] =	stream.linear.gather [hbm4b:s7+s4], $0x2800, $0x38;
	[tilespmem:$0x57F0] =	vst v63  }
0x49: {  	_ =	swait.ge [sflag:s13], $0x2800  }
0x4a: {  	[sflag:s13] =	ssyncset.done $0x0  }
0x4b: {  	[sflag:s13] =	ssyncadd.s32 $0xFFFFD800  }
0x4c: {  	[tilespmem:s14], [sflag:$0x3] =	stream.linear.gather [hbm4b:s8+s4], $0x2800, $0x38;
	[tilespmem:$0x57F0] =	vst v63  }
0x4d: {  	_ =	swait.ge [sflag:s13], $0x2800  }
0x4e: {  	[sflag:s13] =	ssyncset.done $0x0  }
0x4f: {  	s20 =	simm.s32 $0x0;
	[sflag:s13] =	ssyncadd.s32 $0xFFFFD800  }
0x50: {  	[spmem:s2] =	stream.indirect.scatter.add.f32 [tilespmem:s16], [sflag:$0x1], $0x1, s20, s15, $0xb8;
	[tilespmem:$0x57F0] =	vst v63  }
0x51: {  	s21 =	simm.s32 $0x2800;
	s20 =	simm.s32 $0x200  }
.LBB2_2:
0x52: {  	[spmem:s3] =	stream.indirect.scatter.add.f32 [tilespmem:s16], [sflag:$0x2], $0x1, s21, s15, $0xb8;
	[tilespmem:$0x57F0] =	vst v63  }
0x53: {  	s21 =	smov.u32 s20;
	p0 =	sne.s32 s20, $0x9E00  }
.Ltmp0:
0x54: {  	s20 =	sadd.s32 $0x200, s20;
	(pc) =	sbr.rel @p0 .LBB2_2-.Ltmp0, $4  }
0x55: {  	_ = 	snop  }
0x56: {  	s21 =	sshra.s32 s21, $0x2  }
0x57: {  	[spmem:s2] =	stream.indirect.scatter.add.f32 [tilespmem:s16], [sflag:$0x1], $0x1, s21, s15, $0xb8;
	[tilespmem:$0x57F0] =	vst v63  }
0x58: {  	s21 =	sadd.s32 $0x2800, s21  }
0x59: {  	[spmem:s3] =	stream.indirect.scatter.add.f32 [tilespmem:s16], [sflag:$0x2], $0x1, s21, s15, $0xb8;
	[tilespmem:$0x57F0] =	vst v63  }
0x5a: {  	_ =	swait.ge [sflag:s17], $0x2800  }
0x5b: {  	[sflag:s17] =	ssyncset.done $0x0  }
0x5c: {  	[sflag:s17] =	ssyncadd.s32 $0xFFFFD800  }
0x5d: {  	_ =	swait.ge [sflag:s18], $0x2800  }
0x5e: {  	[sflag:s18] =	ssyncset.done $0x0  }
0x5f: {  	[sflag:s18] =	ssyncadd.s32 $0xFFFFD800  }
0x60: {  	[bflag:$0x0] =	sbarrier.arrive $0xFFFF  }
0x61: {  	[tilespmem:s12], [sflag:$0x3] =	stream.linear.gather [spmem:s5], $0x278, $0x38;
	[tilespmem:$0x57F0] =	vst v63  }
0x62: {  	_ =	swait.ge [sflag:s13], $0x278  }
0x63: {  	[sflag:s13] =	ssyncset.done $0x0  }
0x64: {  	[sflag:s13] =	ssyncadd.s32 $0xFFFFFD88  }
0x65: {  	[hbm4b:s9+s4] =	stream.linear.scatter [tilespmem:s12], [sflag:$0x3], $0x278, $0x38;
	[tilespmem:$0x57F0] =	vst v63  }
0x66: {  	_ =	swait.ge [sflag:s13], $0x278  }
0x67: {  	[sflag:s13] =	ssyncset.done $0x0  }
0x68: {  	[sflag:s13] =	ssyncadd.s32 $0xFFFFFD88  }
0x69: {  	[tilespmem:s12], [sflag:$0x3] =	stream.linear.gather [spmem:s6], $0x278, $0x38;
	[tilespmem:$0x57F0] =	vst v63  }
0x6a: {  	s19 =	sadd.s32 $0x1, s19;
	_ =	swait.ge [sflag:s13], $0x278  }
0x6b: {  	p0 =	sne.s32 s19, s11;
	[sflag:s13] =	ssyncset.done $0x0  }
.Ltmp1:
0x6c: {  	[sflag:s13] =	ssyncadd.s32 $0xFFFFFD88;
	(pc) =	sbr.rel @p0 .LBB2_1-.Ltmp1, $4  }
0x6d: {  	[hbm4b:s10+s4] =	stream.linear.scatter [tilespmem:s12], [sflag:$0x3], $0x278, $0x38;
	[tilespmem:$0x57F0] =	vst v63  }
0x6e: {  	_ =	swait.ge [sflag:s13], $0x278  }
0x6f: {  	[sflag:s13] =	ssyncset.done $0x0  }
0x70: {  	[sflag:s13] =	ssyncadd.s32 $0xFFFFFD88  }
0x71: {  	_ =	sfence.sel $0x180000  }
0x72: {  	[bflag:$0x0] =	sbarrier.arrive $0xFFFF  }
0x73: {  	p0 =	sne.s32 s1, $0x0;
	_ =	strace $0x90000047  }
0x74: {  	s0 =	sadd.s32 @!p0 $0x100000, s0;
	[bflag:$0x2] =	sbarrier.arrive $0xFFFF  }
0x75: {  	[sflag:s0] =	ssyncadd.tile.s32 @!p0 $0x1;
	_ =	shalt  }
.Lfunc_end2:
_tile_overlayer_lowered:
.L_overlay_start_2:
0x76: {  	(tag) =	ssettag $0x2  }
0x77: {  	s0 =	rddreg [dreg:$0x0];
	s2 =	stileid.u32  }
0x78: {  	s1 =	rddreg [dreg:$0x1];
	p0 =	sne.s32 s2, $0x0  }
0x79: {  	s3 =	rddreg [dreg:$0x2];
	[bflag:$0x3] =	sbarrier.arrive $0xFFFF;
	s2 =	simm.s32 @!p0 $0x1C03  }
0x7a: {  	[timem:s3], [sflag:s2] =	dma.local @!p0 [hbm:s0], s1  }
0x7b: {  	s0 =	simm.s32 @!p0 $0x3  }
0x7c: {  	_ =	swait.ge @!p0 [sflag:s0], s1  }
0x7d: {  	s1 =	ssub.s32 @!p0 $0x0, s1;
	[sflag:s0] =	ssyncset.done @!p0 $0x0  }
0x7e: {  	[sflag:s0] =	ssyncadd.s32 @!p0 s1  }
0x7f: {  	[bflag:$0x3] =	sbarrier.arrive $0xFFFF  }
0x80: {  	_ =	shalt  }

// kernel: kernel.9.cloned.1.call-start
scs
__scs_entry_jumppad:
0x0: {  	(pc) =	sbr.rel $0x88, $3  }
0x1: {  	(tag) =	ssettag $0x0;
	lr =	simm.s32 $0x1  }
0x2: {  	[smem:$0x3F98] =	sst lr;
	_ =	strace $0xD0000000  }
0x3: {  	_ = 	snop  }
0x4: {  	_ = 	snop  }
0x5: {  	_ = 	snop  }
0x6: {  	_ = 	snop  }
0x7: {  	_ = 	snop  }
__scs_overlays_trampoline_lowered:
0x8: {  	[smem:$0x3FA7] =	sst s0  }
0x9: {  	[smem:$0x3FA8] =	sst s1  }
0xa: {  	[smem:$0x3FA9] =	sst s2  }
0xb: {  	[smem:$0x3FAA] =	sst s3  }
0xc: {  	[smem:$0x3FAB] =	sst s4  }
0xd: {  	[smem:$0x3FAC] =	sst s5  }
0xe: {  	[smem:$0x3FAD] =	sst s6  }
0xf: {  	[smem:$0x3FAE] =	sst s7  }
0x10: {  	[smem:$0x3FAF] =	sst s8  }
0x11: {  	[smem:$0x3FB0] =	sst s9;
	s0 =	simm.s32 @!p0 $0x0  }
0x12: {  	s1 =	sld [smem:$0x3F96];
	s0 =	simm.s32 @p0 $0x1  }
0x13: {  	[smem:$0x3FB1] =	sst s0;
	s0 =	simm.s32 @!p1 $0x0  }
0x14: {  	s2 =	sld [smem:$0x3F95];
	s0 =	simm.s32 @p1 $0x1  }
0x15: {  	[smem:$0x3FB2] =	sst s0;
	s0 =	simm.s32 @!p2 $0x0  }
0x16: {  	s3 =	sld [smem:$0x3FDB];
	s0 =	simm.s32 @p2 $0x1  }
0x17: {  	s4 =	simm.s32 $0x1BF5;
	[smem:$0x3FB4] =	sst s0  }
0x18: {  	s0 =	sld [smem:$0x3F97];
	_ =	swait.ge [sflag:s4], $0x0  }
0x19: {  	s7 =	sld [smem:$0x3F98]  }
0x1a: {  	s8 =	sadd.s32 $0xFFFFE003, lr  }
0x1b: {  	s9 =	sadd.s32 $0xFFFFFEF7, lr;
	s5 =	simm.s32 $0xFFFFFFFF;
	p2 =	slt.u32 s8, $0xFFFFF086  }
0x1c: {  	p1 =	slt.u32 s9, $0xF7A;
	s5 =	simm.s32 @!p2 $0x0  }
0x1d: {  	s5 =	simm.s32 @p1 $0x1;
	p0 =	seq.s32 s7, s2  }
0x1e: {  	s7 =	smul.u32 @!p0 $0xF7A, s2;
	p2 =	seq.s32 @!p0 s5, $0x0  }
0x1f: {  	s9 =	smul.u32 $0xF7A, s1;
	s8 =	simm.s32 @!p0 $0x1BF5;
	p2 =	por !p2, p0  }
0x20: {  	[sflag:s8] =	ssyncset.s32 @!p0 $0xFFFFF086;
	s6 =	sadd.s32 @!p0 s3, s7;
	s7 =	simm.s32 @!p0 $0x108  }
0x21: {  	s3 =	sadd.s32 s3, s9;
	s6 =	sadd.s32 @!p0 $0x88, s6;
	s7 =	simm.s32 @p2 $0x1082  }
0x22: {  	[simem:s7], [sflag:s8] =	dma.local @!p0 [hbm:s6], $0xF7A  }
0x23: {  	s9 =	sor.u32 $0xD0000000, s2;
	s6 =	simm.s32 $0x108;
	_ =	swait.ge @!p0 [sflag:s8], $0x0  }
0x24: {  	s3 =	sadd.s32 $0x88, s3;
	s6 =	simm.s32 @!p1 $0x1082;
	[sflag:s4] =	ssyncset.s32 $0xFFFFF086  }
0x25: {  	[simem:s6], [sflag:s4] =	dma.local [hbm:s3], $0xF7A  }
0x26: {  	[smem:$0x3F98] =	sst s1;
	(tag) =	ssettag s2;
	_ =	strace s9  }
0x27: {  	s1 =	sld [smem:$0x3FA8]  }
0x28: {  	s2 =	sld [smem:$0x3FA9]  }
0x29: {  	s4 =	sld [smem:$0x3FAB]  }
0x2a: {  	p0 =	seq.s32 s5, $0x0;
	s5 =	sld [smem:$0x3FAC]  }
0x2b: {  	s6 =	sld [smem:$0x3FAD]  }
0x2c: {  	s7 =	sld [smem:$0x3FAE]  }
0x2d: {  	s3 =	simm.s32 $0x108;
	s8 =	sld [smem:$0x3FAF]  }
0x2e: {  	s3 =	simm.s32 @!p0 $0x1082;
	s9 =	sld [smem:$0x3FB0]  }
0x2f: {  	lr =	sadd.s32 s0, s3;
	s0 =	sld [smem:$0x3FA7]  }
0x30: {  	s3 =	sld [smem:$0x3FAA]  }
0x31: {  	[smem:$0x3FB3] =	sst s10  }
0x32: {  	s10 =	sld [smem:$0x3FB1];
	_ =	sdelay $0x3  }
0x33: {  	p0 =	seq.s32 s10, $0x1;
	s10 =	sld [smem:$0x3FB3];
	_ =	sdelay $0x3  }
0x34: {  	[smem:$0x3FB3] =	sst s10  }
0x35: {  	s10 =	sld [smem:$0x3FB2];
	_ =	sdelay $0x3  }
0x36: {  	p1 =	seq.s32 s10, $0x1;
	s10 =	sld [smem:$0x3FB3];
	_ =	sdelay $0x3  }
0x37: {  	[smem:$0x3FB3] =	sst s10  }
0x38: {  	s10 =	sld [smem:$0x3FB4]  }
0x39: {  	_ = 	snop;
	(pc) =	sbr.ind lr, $3  }
0x3a: {  	_ = 	snop  }
0x3b: {  	_ = 	snop  }
0x3c: {  	p2 =	seq.s32 s10, $0x1;
	s10 =	sld [smem:$0x3FB3]  }
0x3d: {  	_ =	shalt  }
0x3e: {  	_ =	shalt  }
0x3f: {  	_ =	shalt  }
0x40: {  	_ =	shalt  }
0x41: {  	_ =	shalt  }
0x42: {  	_ =	shalt  }
0x43: {  	_ =	shalt  }
0x44: {  	_ =	shalt  }
0x45: {  	_ =	shalt  }
0x46: {  	_ =	shalt  }
0x47: {  	_ =	shalt  }
0x48: {  	_ =	shalt  }
0x49: {  	_ =	shalt  }
0x4a: {  	_ =	shalt  }
0x4b: {  	_ =	shalt  }
0x4c: {  	_ =	shalt  }
0x4d: {  	_ =	shalt  }
0x4e: {  	_ =	shalt  }
0x4f: {  	_ =	shalt  }
0x50: {  	_ =	shalt  }
0x51: {  	_ =	shalt  }
0x52: {  	_ =	shalt  }
0x53: {  	_ =	shalt  }
0x54: {  	_ =	shalt  }
0x55: {  	_ =	shalt  }
0x56: {  	_ =	shalt  }
0x57: {  	_ =	shalt  }
0x58: {  	_ =	shalt  }
0x59: {  	_ =	shalt  }
0x5a: {  	_ =	shalt  }
0x5b: {  	_ =	shalt  }
0x5c: {  	_ =	shalt  }
0x5d: {  	_ =	shalt  }
0x5e: {  	_ =	shalt  }
0x5f: {  	_ =	shalt  }
0x60: {  	_ =	shalt  }
0x61: {  	_ =	shalt  }
0x62: {  	_ =	shalt  }
0x63: {  	_ =	shalt  }
0x64: {  	_ =	shalt  }
0x65: {  	_ =	shalt  }
0x66: {  	_ =	shalt  }
0x67: {  	_ =	shalt  }
0x68: {  	_ =	shalt  }
0x69: {  	_ =	shalt  }
0x6a: {  	_ =	shalt  }
0x6b: {  	_ =	shalt  }
0x6c: {  	_ =	shalt  }
0x6d: {  	_ =	shalt  }
0x6e: {  	_ =	shalt  }
0x6f: {  	_ =	shalt  }
0x70: {  	_ =	shalt  }
0x71: {  	_ =	shalt  }
0x72: {  	_ =	shalt  }
0x73: {  	_ =	shalt  }
0x74: {  	_ =	shalt  }
0x75: {  	_ =	shalt  }
0x76: {  	_ =	shalt  }
0x77: {  	_ =	shalt  }
0x78: {  	_ =	shalt  }
0x79: {  	_ =	shalt  }
0x7a: {  	_ =	shalt  }
0x7b: {  	_ =	shalt  }
0x7c: {  	_ =	shalt  }
0x7d: {  	_ =	shalt  }
0x7e: {  	_ =	shalt  }
0x7f: {  	_ =	shalt  }
0x80: {  	_ =	shalt  }
0x81: {  	_ =	shalt  }
0x82: {  	_ =	shalt  }
0x83: {  	_ =	shalt  }
0x84: {  	_ =	shalt  }
0x85: {  	_ =	shalt  }
0x86: {  	_ =	shalt  }
0x87: {  	_ =	shalt  }
.Lfunc_end0:
.L_simem_size_0:
called_computation.1_lowered:
.L_overlay_start_0:
0x88: {  	s2 =	sld [smem:$0x3FD9]  }
0x89: {  	s3 =	sld [smem:$0x3FFE];
	_ =	sdelay $0x1  }
0x8a: {  	s1 =	srdreg.scid  }
0x8b: {  	s0 =	sand.u32 $0x1, s1  }
0x8c: {  	s16 =	sshll.u32 s0, $0xA;
	s2 =	sadd.s32 s3, s2  }
0x8d: {  	s2 =	sadd.s32 s2, s16  }
0x8e: {  	[smem:$0x3FBF] =	sst s2  }
0x8f: {  	_ = 	snop  }
0x90: {  	(tm) =	ssettm $0x1  }
0x91: {  	s17 =	sld [smem:$0x3FFB];
	_ =	sdelay $0x3  }
0x92: {  	_ =	strace s17  }
0x93: {  	s2 =	sld [smem:$0x3FFC];
	_ =	sdelay $0x3  }
0x94: {  	_ =	strace s2  }
0x95: {  	s2 =	sld [smem:$0x3FFD];
	_ =	sdelay $0x3  }
0x96: {  	_ =	strace s2  }
0x97: {  	_ =	strace $0x8FFFFFFF  }
0x98: {  	s18 =	sld [smem:$0x3FDB];
	_ =	sdelay $0x1  }
0x99: {  	s19 =	simm.s32 $_scs_section_size  }
0x9a: {  	s4 =	simm.s32 $_size__tile_overlayer_lowered;
	s5 =	simm.s32 $_tile_overlayer_lowered  }
0x9b: {  	s22 =	simm.s32 $0x1BFF;
	s21 =	sshll.u32 s5, $0x1;
	s2 =	sadd.s32 s19, s18  }
0x9c: {  	s6 =	simm.s32 $0x0;
	s20 =	sshll.u32 s4, $0x1;
	s4 =	sadd.s32 s21, s2  }
0x9d: {  	[timem:s6], [sflag:s22] =	dma.local [hbm:s4], s20  }
0x9e: {  	_ =	swait.ge [sflag:s22], s20  }
0x9f: {  	s3 =	ssub.s32 $0x0, s20;
	[sflag:s22] =	ssyncset.done $0x0  }
0xa0: {  	[sflag:s22] =	ssyncadd.s32 s3;
	_ =	sdelay $0x1  }
0xa1: {  	s23 =	simm.s32 $0x1B8B  }
0xa2: {  	_ =	swait.ge [sflag:s23], $0x1  }
0xa3: {  	[sflag:s23] =	ssyncset.done $0x0  }
0xa4: {  	s25 =	simm.s32 $0x1B8E;
	s24 =	sld [smem:$0x3FFE];
	[sflag:s23] =	ssyncadd.s32 $0xFFFFFFFF  }
0xa5: {  	s26 =	simm.s32 $execute0_lowered;
	[smem:$0x3FD2] =	sst s25  }
0xa6: {  	s4 =	sshll.u32 s26, $0x1;
	_ =	strace $0x80000049;
	[dreg:$0x1] =	wrdreg $0xFFFFFFFF  }
0xa7: {  	s28 =	simm.s32 $_size_execute0_lowered;
	s2 =	sadd.s32 s2, s4;
	[dreg:$0x0] =	wrdreg $0x0  }
0xa8: {  	s4 =	sshll.u32 s28, $0x1;
	[dreg:$0x2] =	wrdreg s2  }
0xa9: {  	[dreg:$0x3] =	wrdreg s4  }
0xaa: {  	[dreg:$0x4] =	wrdreg $0xC0  }
0xab: {  	_ =	task [dreg:s6], $0x5FFFF  }
0xac: {  	[dreg:$0x1] =	wrdreg $0xFFFFFFFF  }
0xad: {  	[dreg:$0x0] =	wrdreg $0x60  }
0xae: {  	[dreg:$0x2] =	wrdreg s24  }
0xaf: {  	[dreg:$0x3] =	wrdreg $0xAB800  }
0xb0: {  	[dreg:$0x4] =	wrdreg $0x1E7800  }
0xb1: {  	[dreg:$0x5] =	wrdreg $0x9  }
0xb2: {  	_ =	task.clear_ibuf [dreg:s6], $0x6FFFF;
	_ =	strace $0x90000049  }
0xb3: {  	s29 =	simm.s32 $0x9;
	_ =	strace $0x8000004B  }
0xb4: {  	_ =	swait.ge [sflag:s29], $0x1  }
0xb5: {  	[sflag:s29] =	ssyncadd.s32 $0xFFFFFFFF  }
0xb6: {  	_ =	strace $0x9000004B  }
0xb7: {  	_ =	sfence  }
0xb8: {  	s30 =	sld [smem:$0x0];
	_ =	sdelay $0x2  }
0xb9: {  	s31 =	sshll.u32 s1, $0xD;
	s1 =	sshrl.u32 s1, $0x2  }
0xba: {  	s3 =	sand.u32 $0x4000, s31;
	s1 =	sadd.s32 s1, s30  }
0xbb: {  	s0 =	sor.u32 s3, s0;
	s1 =	sshll.u32 s1, $0x11  }
0xbc: {  	s0 =	sor.u32 s1, s0  }
0xbd: {  	s0 =	sadd.s32 $0x8F2B, s0  }
0xbe: {  	[sflag:s0] =	ssyncadd.remote.s32 $0x1  }
0xbf: {  	_ =	sfence.sel $0xFFFF  }
0xc0: {  	[dreg:$0x0] =	wrdreg $0xFFFFFFFF;
	(pc) =	sbr.abs _section_cstart, $3  }
0xc1: {  	[dreg:$0x1] =	wrdreg $0xFFFFFFFF  }
0xc2: {  	_ =	task.clear_ibuf [dreg:s6], $0x2FFFF;
	_ =	strace $0x9FFFFFFF  }
0xc3: {  	(tm) =	ssettm $0x7FFFFFFF  }
tec
execute0_lowered:
.L_overlay_start_1:
0x0: {  	(tag) =	ssettag $0x1  }
0x1: {  	s0 =	rddreg [dreg:$0x0]  }
0x2: {  	s2 =	rddreg [dreg:$0x1];
	s1 =	srdreg.scid  }
0x3: {  	s14 =	stileid.u32;
	s3 =	rddreg [dreg:$0x2]  }
0x4: {  	s5 =	simm.s32 $0x0;
	s28 =	simm.s32 $0xA880;
	s29 =	simm.s32 $0x1  }
0x5: {  	s30 =	simm.s32 $0x3;
	s31 =	simm.s32 $0x2;
	s4 =	smul.u32 $0x13C00, s14  }
0x6: {  	s1 =	sand.u32 $0x1, s1;
	[smem:$0x7FF] =	sst s5;
	s8 =	smul.u32 $0x278, s14  }
0x7: {  	s9 =	sadd.s32 $0xC000, s0;
	s10 =	sadd.s32 $0x2000, s0;
	s12 =	smul.u32 $0x4F000, s14  }
0x8: {  	s5 =	sadd.s32 $0x16000, s0;
	s6 =	smul.u32 $0x13C000, s1;
	_ =	strace $0x8000004A  }
0x9: {  	s7 =	smul.u32 $0x2780, s1;
	s18 =	ssub.s32 $0x2, s1;
	s1 =	sshll.u32 s1, $0x4  }
0xa: {  	s13 =	sshrl.u32 s18, $0x1;
	s1 =	sor.u32 s14, s1;
	s12 =	sshrl.u32 s12, $0x2  }
0xb: {  	s11 =	sadd.s32 s4, s6;
	s6 =	sadd.s32 $0x3D800, s0;
	s7 =	sadd.s32 s8, s7  }
0xc: {  	s13 =	ssub.s32 s18, s13;
	s12 =	sadd.s32 s12, s2;
	s14 =	smul.u32 $0x2800, s1  }
0xd: {  	s1 =	smul.u32 $0x500, s1;
	s11 =	sshrl.u32 s11, $0x3;
	s19 =	sadd.s32 $0x4000, s12  }
0xe: {  	s7 =	sshrl.u32 s7, $0x3;
	s20 =	sadd.s32 $0x8000, s12;
	[dreg:$0x4] =	wrdreg s19  }
0xf: {  	s21 =	sadd.s32 $0xC000, s12;
	s12 =	sadd.s32 $0x10000, s12;
	[dreg:$0x5] =	wrdreg s20  }
0x10: {  	s11 =	sadd.s32 s11, s0;
	s0 =	sadd.s32 s7, s0;
	[dreg:$0x6] =	wrdreg s21  }
0x11: {  	s7 =	sadd.s32 s4, s2;
	s22 =	sshrl.u32 s14, $0x3;
	[dreg:$0x7] =	wrdreg s12  }
0x12: {  	s12 =	sadd.s32 s8, s3;
	s23 =	sadd.s32 s9, s1;
	s1 =	sadd.s32 s10, s1  }
0x13: {  	s19 =	smax.u32 s13, $0x1;
	s20 =	simm.s32 $0x2800;
	s21 =	simm.s32 $0x5  }
0x14: {  	s8 =	simm.s32 $0x2700;
	s4 =	sadd.s32 $0x280, s22;
	[dreg:$0x8] =	wrdreg s23  }
0x15: {  	[dreg:$0x9] =	wrdreg s1;
	s26 =	sadd.s32 $0x3E800, s11;
	s18 =	sadd.s32 $0x3DE00, s0  }
0x16: {  	s22 =	simm.s32 $0xA900;
	s23 =	simm.s32 $0x1400;
	s1 =	simm.s32 $0x4  }
0x17: {  	s0 =	simm.s32 $0x2780;
	s24 =	sadd.s32 s9, s4;
	s25 =	sadd.s32 s10, s4  }
0x18: {  	[dreg:$0xc] =	wrdreg s26;
	s26 =	simm.s32 $0x6800;
	s4 =	simm.s32 $0x1380  }
0x19: {  	s9 =	simm.s32 $0x1300;
	s10 =	simm.s32 $0x0;
	[dreg:$0xa] =	wrdreg s24  }
0x1a: {  	v0 =	vimm.f32 $0.0e+00;
	[dreg:$0xb] =	wrdreg s25;
	s24 =	simm.s32 $0x80;
	s25 =	simm.s32 $0xA800  }
.LBB2_1:
0x1b: {  	s11 =	simm.s32 $0x0;
	s13 =	simm.s32 $0x200  }
.LBB2_2:
0x1c: {  	p0 =	sne.s32 s13, $0xFE00;
	[tilespmem:s11+$0x2870] =	vst v0  }
0x1d: {  	[tilespmem:s11+$0x2800] =	vst v0  }
0x1e: {  	[tilespmem:s11+$0x2810] =	vst v0  }
.Ltmp0:
0x1f: {  	[tilespmem:s11+$0x2820] =	vst v0;
	(pc) =	sbr.rel @p0 .LBB2_2-.Ltmp0, $4  }
0x20: {  	[tilespmem:s11+$0x2830] =	vst v0  }
0x21: {  	[tilespmem:s11+$0x2840] =	vst v0  }
0x22: {  	[tilespmem:s11+$0x2850] =	vst v0  }
0x23: {  	[tilespmem:s11+$0x2860] =	vst v0;
	s11 =	sshra.s32 s13, $0x2;
	s13 =	sadd.s32 $0x200, s13  }
0x24: {  	[tilespmem:s11+$0x2870] =	vst v0  }
0x25: {  	[tilespmem:s11+$0x2800] =	vst v0  }
0x26: {  	[tilespmem:s11+$0x2810] =	vst v0  }
0x27: {  	[tilespmem:s11+$0x2820] =	vst v0  }
0x28: {  	[tilespmem:s11+$0x2830] =	vst v0  }
0x29: {  	[tilespmem:s11+$0x2840] =	vst v0  }
0x2a: {  	[tilespmem:s11+$0x2850] =	vst v0  }
0x2b: {  	[tilespmem:s11+$0x2860] =	vst v0  }
0x2c: {  	[tilespmem:$0xA900] =	vst v0  }
0x2d: {  	[tilespmem:$0xA910] =	vst v0  }
0x2e: {  	[tilespmem:$0xA920] =	vst v0  }
0x2f: {  	[tilespmem:$0xA930] =	vst v0  }
0x30: {  	[tilespmem:$0xA940] =	vst v0  }
0x31: {  	[tilespmem:$0xA950] =	vst v0  }
0x32: {  	[tilespmem:$0xA960] =	vst v0  }
0x33: {  	[tilespmem:$0xA970] =	vst v0  }
0x34: {  	[tilespmem:$0xA980] =	vst v0  }
0x35: {  	[tilespmem:$0xA990] =	vst v0  }
0x36: {  	[tilespmem:$0xA9A0] =	vst v0  }
0x37: {  	[tilespmem:$0xA9B0] =	vst v0  }
0x38: {  	[tilespmem:$0xA9C0] =	vst v0  }
0x39: {  	[tilespmem:$0xA9D0] =	vst v0  }
0x3a: {  	[tilespmem:$0xA9E0] =	vst v0  }
0x3b: {  	[tilespmem:$0xA9F0] =	vst v0  }
0x3c: {  	[tilespmem:$0xAA00] =	vst v0  }
0x3d: {  	[tilespmem:$0xAA10] =	vst v0  }
0x3e: {  	[tilespmem:$0xAA20] =	vst v0  }
0x3f: {  	[tilespmem:$0xAA30] =	vst v0  }
0x40: {  	[tilespmem:$0xAA40] =	vst v0  }
0x41: {  	[tilespmem:$0xAA50] =	vst v0  }
0x42: {  	[tilespmem:$0xAA60] =	vst v0  }
0x43: {  	[tilespmem:$0xAA70] =	vst v0  }
0x44: {  	[tilespmem:$0xAA80] =	vst v0  }
0x45: {  	[tilespmem:$0xAA90] =	vst v0  }
0x46: {  	[tilespmem:$0xAAA0] =	vst v0  }
0x47: {  	[tilespmem:$0xAAB0] =	vst v0  }
0x48: {  	[tilespmem:$0xAAC0] =	vst v0  }
0x49: {  	[tilespmem:$0xAAD0] =	vst v0  }
0x4a: {  	[tilespmem:$0xAAE0] =	vst v0  }
0x4b: {  	[tilespmem:$0xAAF0] =	vst v0  }
0x4c: {  	[tilespmem:$0xAB00] =	vst v0  }
0x4d: {  	[tilespmem:$0xAB10] =	vst v0  }
0x4e: {  	[tilespmem:$0xAB20] =	vst v0  }
0x4f: {  	[tilespmem:$0xAB30] =	vst v0  }
0x50: {  	[tilespmem:$0xAB40] =	vst v0  }
0x51: {  	[tilespmem:$0xAB50] =	vst v0  }
0x52: {  	[tilespmem:$0xAB60] =	vst v0  }
0x53: {  	[tilespmem:$0xAB70] =	vst v0  }
0x54: {  	[spmem:s7] =	stream.linear.scatter [tilespmem:s20], [sflag:$0x5], $0x4000, $0x38;
	[tilespmem:$0x1E9F8] =	vst v63  }
0x55: {  	_ =	swait.ge [sflag:s21], $0x4000  }
0x56: {  	[sflag:s21] =	ssyncset.done $0x0  }
0x57: {  	s13 =	rddreg [dreg:$0x4];
	[sflag:s21] =	ssyncadd.s32 $0xFFFFC000  }
0x58: {  	[spmem:s13] =	stream.linear.scatter [tilespmem:s20], [sflag:$0x5], $0x4000, $0x38;
	[tilespmem:$0x1E9F8] =	vst v63  }
0x59: {  	_ =	swait.ge [sflag:s21], $0x4000  }
0x5a: {  	[sflag:s21] =	ssyncset.done $0x0  }
0x5b: {  	s14 =	rddreg [dreg:$0x5];
	[sflag:s21] =	ssyncadd.s32 $0xFFFFC000  }
0x5c: {  	[spmem:s14] =	stream.linear.scatter [tilespmem:s20], [sflag:$0x5], $0x4000, $0x38;
	[tilespmem:$0x1E9F8] =	vst v63  }
0x5d: {  	_ =	swait.ge [sflag:s21], $0x4000  }
0x5e: {  	[sflag:s21] =	ssyncset.done $0x0  }
0x5f: {  	s15 =	rddreg [dreg:$0x6];
	[sflag:s21] =	ssyncadd.s32 $0xFFFFC000  }
0x60: {  	[spmem:s15] =	stream.linear.scatter [tilespmem:s20], [sflag:$0x5], $0x4000, $0x38;
	[tilespmem:$0x1E9F8] =	vst v63  }
0x61: {  	_ =	swait.ge [sflag:s21], $0x4000  }
0x62: {  	[sflag:s21] =	ssyncset.done $0x0  }
0x63: {  	s16 =	rddreg [dreg:$0x7];
	[sflag:s21] =	ssyncadd.s32 $0xFFFFC000  }
0x64: {  	[spmem:s16] =	stream.linear.scatter [tilespmem:s20], [sflag:$0x5], $0x3C00, $0x38;
	[tilespmem:$0x1E9F8] =	vst v63  }
0x65: {  	_ =	swait.ge [sflag:s21], $0x3C00  }
0x66: {  	[sflag:s21] =	ssyncset.done $0x0  }
0x67: {  	[sflag:s21] =	ssyncadd.s32 $0xFFFFC400  }
0x68: {  	[spmem:s12] =	stream.linear.scatter [tilespmem:s22], [sflag:$0x5], $0x278, $0x38;
	[tilespmem:$0x1E9F8] =	vst v63  }
0x69: {  	_ =	swait.ge [sflag:s21], $0x278  }
0x6a: {  	[sflag:s21] =	ssyncset.done $0x0  }
0x6b: {  	[sflag:s21] =	ssyncadd.s32 $0xFFFFFD88  }
0x6c: {  	[bflag:$0x0] =	sbarrier.arrive $0xFFFF  }
0x6d: {  	s17 =	simm.s32 $0x0;
	s13 =	rddreg [dreg:$0x8]  }
0x6e: {  	[tilespmem:s17], [sflag:$0x5] =	stream.linear.gather [hbm4b:s13+s17], $0x1400, $0x38;
	[tilespmem:$0x1E9F8] =	vst v63  }
0x6f: {  	_ =	swait.ge [sflag:s21], $0x1400  }
0x70: {  	[sflag:s21] =	ssyncset.done $0x0  }
0x71: {  	s14 =	rddreg [dreg:$0x9];
	[sflag:s21] =	ssyncadd.s32 $0xFFFFEC00  }
0x72: {  	[tilespmem:s23], [sflag:$0x5] =	stream.linear.gather [hbm4b:s14+s17], $0x1400, $0x38;
	[tilespmem:$0x1E9F8] =	vst v63  }
0x73: {  	_ =	swait.ge [sflag:s21], $0x1400  }
0x74: {  	[sflag:s21] =	ssyncset.done $0x0  }
0x75: {  	[sflag:s21] =	ssyncadd.s32 $0xFFFFEC00  }
0x76: {  	[tilespmem:s20], [sflag:$0x1] =	stream.indirect.gather [hbm4b:s5+s24], $0x80, s17, s24, $0xb8;
	[tilespmem:$0x1E9F8] =	vst v63  }
0x77: {  	_ = 	snop  }
0x78: {  	[tilespmem:s25], [sflag:$0x3] =	stream.indirect.gather [hbm4b:s6+s24], $0x1, s23, s24, $0xb8;
	[tilespmem:$0x1E9F8] =	vst v63  }
0x79: {  	s11 =	simm.s32 $0x80  }
0x7a: {  	[tilespmem:s26], [sflag:$0x2] =	stream.indirect.gather [hbm4b:s5+s24], $0x80, s11, s24, $0xb8;
	[tilespmem:$0x1E9F8] =	vst v63  }
0x7b: {  	s13 =	simm.s32 $0x1480  }
0x7c: {  	[tilespmem:s28], [sflag:$0x4] =	stream.indirect.gather [hbm4b:s6+s24], $0x1, s13, s24, $0xb8;
	[tilespmem:$0x1E9F8] =	vst v63  }
0x7d: {  	_ =	swait.ge [sflag:s29], $0x4000  }
0x7e: {  	[sflag:s29] =	ssyncset.done $0x0  }
0x7f: {  	[sflag:s29] =	ssyncadd.s32 $0xFFFFC000  }
0x80: {  	_ =	swait.ge [sflag:s30], $0x80  }
0x81: {  	[sflag:s30] =	ssyncset.done $0x0  }
0x82: {  	s14 =	simm.s32 $0x1400;
	[sflag:s30] =	ssyncadd.s32 $0xFFFFFF80  }
0x83: {  	[spmem:s2] =	stream.indirect.scatter.add.f32 [tilespmem:s20], [sflag:$0x5], $0x80, s14, s24, $0xb8;
	[tilespmem:$0x1E9F8] =	vst v63  }
0x84: {  	_ =	swait.ge [sflag:s21], $0x4000  }
0x85: {  	[sflag:s21] =	ssyncset.done $0x0  }
0x86: {  	s15 =	simm.s32 $0x0;
	[sflag:s21] =	ssyncadd.s32 $0xFFFFC000  }
0x87: {  	[spmem:s3] =	stream.indirect.scatter.add.f32 [tilespmem:s25], [sflag:$0x5], $0x1, s15, s24, $0xb8;
	[tilespmem:$0x1E9F8] =	vst v63  }
0x88: {  	_ =	swait.ge [sflag:s21], $0x80  }
0x89: {  	[sflag:s21] =	ssyncset.done $0x0  }
0x8a: {  	s16 =	simm.s32 $0x100;
	[sflag:s21] =	ssyncadd.s32 $0xFFFFFF80  }
0x8b: {  	[tilespmem:s20], [sflag:$0x1] =	stream.indirect.gather [hbm4b:s5+s24], $0x80, s16, s24, $0xb8;
	[tilespmem:$0x1E9F8] =	vst v63  }
0x8c: {  	s17 =	simm.s32 $0x1500  }
0x8d: {  	[tilespmem:s25], [sflag:$0x3] =	stream.indirect.gather [hbm4b:s6+s24], $0x1, s17, s24, $0xb8;
	[tilespmem:$0x1E9F8] =	vst v63  }
0x8e: {  	_ =	swait.ge [sflag:s31], $0x4000  }
0x8f: {  	[sflag:s31] =	ssyncset.done $0x0  }
0x90: {  	[sflag:s31] =	ssyncadd.s32 $0xFFFFC000  }
0x91: {  	_ =	swait.ge [sflag:s1], $0x80  }
0x92: {  	[sflag:s1] =	ssyncset.done $0x0  }
0x93: {  	[sflag:s1] =	ssyncadd.s32 $0xFFFFFF80  }
0x94: {  	[spmem:s2] =	stream.indirect.scatter.add.f32 [tilespmem:s26], [sflag:$0x5], $0x80, s13, s24, $0xb8;
	[tilespmem:$0x1E9F8] =	vst v63  }
0x95: {  	_ =	swait.ge [sflag:s21], $0x4000  }
0x96: {  	[sflag:s21] =	ssyncset.done $0x0  }
0x97: {  	[sflag:s21] =	ssyncadd.s32 $0xFFFFC000  }
0x98: {  	[spmem:s3] =	stream.indirect.scatter.add.f32 [tilespmem:s28], [sflag:$0x5], $0x1, s11, s24, $0xb8;
	[tilespmem:$0x1E9F8] =	vst v63  }
0x99: {  	_ =	swait.ge [sflag:s21], $0x80  }
0x9a: {  	s13 =	simm.s32 $0x800;
	s11 =	simm.s32 $0x100;
	[sflag:s21] =	ssyncset.done $0x0  }
.LBB2_4:
0x9b: {  	s15 =	sadd.s32 $0x80, s11  }
0x9c: {  	[sflag:s21] =	ssyncadd.s32 $0xFFFFFF80;
	s14 =	smov.u32 s13;
	s16 =	sadd.s32 $0x400, s13  }
0x9d: {  	[tilespmem:s26], [sflag:$0x2] =	stream.indirect.gather [hbm4b:s5+s24], $0x80, s15, s24, $0xb8;
	[tilespmem:$0x1E9F8] =	vst v63  }
0x9e: {  	p0 =	sne.s32 s13, $0x4800;
	s13 =	sadd.s32 $0x1480, s11  }
0x9f: {  	[tilespmem:s28], [sflag:$0x4] =	stream.indirect.gather [hbm4b:s6+s24], $0x1, s13, s24, $0xb8;
	[tilespmem:$0x1E9F8] =	vst v63  }
0xa0: {  	_ =	swait.ge [sflag:s29], $0x4000  }
0xa1: {  	[sflag:s29] =	ssyncset.done $0x0  }
0xa2: {  	[sflag:s29] =	ssyncadd.s32 $0xFFFFC000  }
0xa3: {  	_ =	swait.ge [sflag:s30], $0x80  }
0xa4: {  	[sflag:s30] =	ssyncset.done $0x0  }
0xa5: {  	s17 =	sadd.s32 $0x1400, s11;
	[sflag:s30] =	ssyncadd.s32 $0xFFFFFF80  }
0xa6: {  	[spmem:s2] =	stream.indirect.scatter.add.f32 [tilespmem:s20], [sflag:$0x5], $0x80, s17, s24, $0xb8;
	[tilespmem:$0x1E9F8] =	vst v63  }
0xa7: {  	_ =	swait.ge [sflag:s21], $0x4000  }
0xa8: {  	[sflag:s21] =	ssyncset.done $0x0  }
0xa9: {  	[sflag:s21] =	ssyncadd.s32 $0xFFFFC000  }
0xaa: {  	[spmem:s3] =	stream.indirect.scatter.add.f32 [tilespmem:s25], [sflag:$0x5], $0x1, s11, s24, $0xb8;
	[tilespmem:$0x1E9F8] =	vst v63  }
0xab: {  	_ =	swait.ge [sflag:s21], $0x80  }
0xac: {  	[sflag:s21] =	ssyncset.done $0x0  }
0xad: {  	s17 =	sadd.s32 $0x100, s11;
	[sflag:s21] =	ssyncadd.s32 $0xFFFFFF80  }
0xae: {  	[tilespmem:s20], [sflag:$0x1] =	stream.indirect.gather [hbm4b:s5+s24], $0x80, s17, s24, $0xb8;
	[tilespmem:$0x1E9F8] =	vst v63  }
0xaf: {  	s11 =	sadd.s32 $0x1500, s11  }
0xb0: {  	[tilespmem:s25], [sflag:$0x3] =	stream.indirect.gather [hbm4b:s6+s24], $0x1, s11, s24, $0xb8;
	[tilespmem:$0x1E9F8] =	vst v63  }
0xb1: {  	_ =	swait.ge [sflag:s31], $0x4000  }
0xb2: {  	[sflag:s31] =	ssyncset.done $0x0  }
0xb3: {  	[sflag:s31] =	ssyncadd.s32 $0xFFFFC000  }
0xb4: {  	_ =	swait.ge [sflag:s1], $0x80  }
0xb5: {  	[sflag:s1] =	ssyncset.done $0x0  }
0xb6: {  	[sflag:s1] =	ssyncadd.s32 $0xFFFFFF80  }
0xb7: {  	[spmem:s2] =	stream.indirect.scatter.add.f32 [tilespmem:s26], [sflag:$0x5], $0x80, s13, s24, $0xb8;
	[tilespmem:$0x1E9F8] =	vst v63  }
0xb8: {  	_ =	swait.ge [sflag:s21], $0x4000  }
.Ltmp1:
0xb9: {  	[sflag:s21] =	ssyncset.done $0x0;
	(pc) =	sbr.rel @p0 .LBB2_4-.Ltmp1, $4  }
0xba: {  	[sflag:s21] =	ssyncadd.s32 $0xFFFFC000  }
0xbb: {  	[spmem:s3] =	stream.indirect.scatter.add.f32 [tilespmem:s28], [sflag:$0x5], $0x1, s15, s24, $0xb8;
	[tilespmem:$0x1E9F8] =	vst v63  }
0xbc: {  	_ =	swait.ge [sflag:s21], $0x80  }
0xbd: {  	s11 =	sshra.s32 s14, $0x2;
	s13 =	smov.u32 s16;
	[sflag:s21] =	ssyncset.done $0x0  }
0xbe: {  	s13 =	sadd.s32 $0x80, s11;
	[sflag:s21] =	ssyncadd.s32 $0xFFFFFF80  }
0xbf: {  	[tilespmem:s26], [sflag:$0x2] =	stream.indirect.gather [hbm4b:s5+s24], $0x80, s13, s24, $0xb8;
	[tilespmem:$0x1E9F8] =	vst v63  }
0xc0: {  	s14 =	sadd.s32 $0x1480, s11  }
0xc1: {  	[tilespmem:s28], [sflag:$0x4] =	stream.indirect.gather [hbm4b:s6+s24], $0x1, s14, s24, $0xb8;
	[tilespmem:$0x1E9F8] =	vst v63  }
0xc2: {  	_ =	swait.ge [sflag:s29], $0x4000  }
0xc3: {  	[sflag:s29] =	ssyncset.done $0x0  }
0xc4: {  	[sflag:s29] =	ssyncadd.s32 $0xFFFFC000  }
0xc5: {  	_ =	swait.ge [sflag:s30], $0x80  }
0xc6: {  	[sflag:s30] =	ssyncset.done $0x0  }
0xc7: {  	s15 =	sadd.s32 $0x1400, s11;
	[sflag:s30] =	ssyncadd.s32 $0xFFFFFF80  }
0xc8: {  	[spmem:s2] =	stream.indirect.scatter.add.f32 [tilespmem:s20], [sflag:$0x5], $0x80, s15, s24, $0xb8;
	[tilespmem:$0x1E9F8] =	vst v63  }
0xc9: {  	_ =	swait.ge [sflag:s21], $0x4000  }
0xca: {  	[sflag:s21] =	ssyncset.done $0x0  }
0xcb: {  	[sflag:s21] =	ssyncadd.s32 $0xFFFFC000  }
0xcc: {  	[spmem:s3] =	stream.indirect.scatter.add.f32 [tilespmem:s25], [sflag:$0x5], $0x1, s11, s24, $0xb8;
	[tilespmem:$0x1E9F8] =	vst v63  }
0xcd: {  	_ =	swait.ge [sflag:s21], $0x80  }
0xce: {  	[sflag:s21] =	ssyncset.done $0x0  }
0xcf: {  	s16 =	sadd.s32 $0x100, s11;
	[sflag:s21] =	ssyncadd.s32 $0xFFFFFF80  }
0xd0: {  	[tilespmem:s20], [sflag:$0x1] =	stream.indirect.gather [hbm4b:s5+s24], $0x80, s16, s24, $0xb8;
	[tilespmem:$0x1E9F8] =	vst v63  }
0xd1: {  	s17 =	sadd.s32 $0x1500, s11  }
0xd2: {  	[tilespmem:s25], [sflag:$0x3] =	stream.indirect.gather [hbm4b:s6+s24], $0x1, s17, s24, $0xb8;
	[tilespmem:$0x1E9F8] =	vst v63  }
0xd3: {  	_ =	swait.ge [sflag:s31], $0x4000  }
0xd4: {  	[sflag:s31] =	ssyncset.done $0x0  }
0xd5: {  	[sflag:s31] =	ssyncadd.s32 $0xFFFFC000  }
0xd6: {  	_ =	swait.ge [sflag:s1], $0x80  }
0xd7: {  	[sflag:s1] =	ssyncset.done $0x0  }
0xd8: {  	[sflag:s1] =	ssyncadd.s32 $0xFFFFFF80  }
0xd9: {  	[spmem:s2] =	stream.indirect.scatter.add.f32 [tilespmem:s26], [sflag:$0x5], $0x80, s14, s24, $0xb8;
	[tilespmem:$0x1E9F8] =	vst v63  }
0xda: {  	_ =	swait.ge [sflag:s21], $0x4000  }
0xdb: {  	[sflag:s21] =	ssyncset.done $0x0  }
0xdc: {  	[sflag:s21] =	ssyncadd.s32 $0xFFFFC000  }
0xdd: {  	[spmem:s3] =	stream.indirect.scatter.add.f32 [tilespmem:s28], [sflag:$0x5], $0x1, s13, s24, $0xb8;
	[tilespmem:$0x1E9F8] =	vst v63  }
0xde: {  	_ =	swait.ge [sflag:s21], $0x80  }
0xdf: {  	[sflag:s21] =	ssyncset.done $0x0  }
0xe0: {  	[sflag:s21] =	ssyncadd.s32 $0xFFFFFF80  }
0xe1: {  	[tilespmem:s26], [sflag:$0x2] =	stream.indirect.gather [hbm4b:s5+s24], $0x80, s4, s24, $0xb8;
	[tilespmem:$0x1E9F8] =	vst v63  }
0xe2: {  	_ = 	snop  }
0xe3: {  	[tilespmem:s28], [sflag:$0x4] =	stream.indirect.gather [hbm4b:s6+s24], $0x1, s0, s24, $0xb8;
	[tilespmem:$0x1E9F8] =	vst v63  }
0xe4: {  	_ =	swait.ge [sflag:s29], $0x4000  }
0xe5: {  	[sflag:s29] =	ssyncset.done $0x0  }
0xe6: {  	[sflag:s29] =	ssyncadd.s32 $0xFFFFC000  }
0xe7: {  	_ =	swait.ge [sflag:s30], $0x80  }
0xe8: {  	[sflag:s30] =	ssyncset.done $0x0  }
0xe9: {  	[sflag:s30] =	ssyncadd.s32 $0xFFFFFF80  }
0xea: {  	[spmem:s2] =	stream.indirect.scatter.add.f32 [tilespmem:s20], [sflag:$0x5], $0x80, s8, s24, $0xb8;
	[tilespmem:$0x1E9F8] =	vst v63  }
0xeb: {  	_ =	swait.ge [sflag:s21], $0x4000  }
0xec: {  	[sflag:s21] =	ssyncset.done $0x0  }
0xed: {  	[sflag:s21] =	ssyncadd.s32 $0xFFFFC000  }
0xee: {  	[spmem:s3] =	stream.indirect.scatter.add.f32 [tilespmem:s25], [sflag:$0x5], $0x1, s9, s24, $0xb8;
	[tilespmem:$0x1E9F8] =	vst v63  }
0xef: {  	_ =	swait.ge [sflag:s21], $0x80  }
0xf0: {  	[sflag:s21] =	ssyncset.done $0x0  }
0xf1: {  	[sflag:s21] =	ssyncadd.s32 $0xFFFFFF80  }
0xf2: {  	_ =	swait.ge [sflag:s31], $0x4000  }
0xf3: {  	[sflag:s31] =	ssyncset.done $0x0  }
0xf4: {  	[sflag:s31] =	ssyncadd.s32 $0xFFFFC000  }
0xf5: {  	_ =	swait.ge [sflag:s1], $0x80  }
0xf6: {  	[sflag:s1] =	ssyncset.done $0x0  }
0xf7: {  	[sflag:s1] =	ssyncadd.s32 $0xFFFFFF80  }
0xf8: {  	[spmem:s2] =	stream.indirect.scatter.add.f32 [tilespmem:s26], [sflag:$0x5], $0x80, s0, s24, $0xb8;
	[tilespmem:$0x1E9F8] =	vst v63  }
0xf9: {  	_ =	swait.ge [sflag:s21], $0x4000  }
0xfa: {  	[sflag:s21] =	ssyncset.done $0x0  }
0xfb: {  	[sflag:s21] =	ssyncadd.s32 $0xFFFFC000  }
0xfc: {  	[spmem:s3] =	stream.indirect.scatter.add.f32 [tilespmem:s28], [sflag:$0x5], $0x1, s4, s24, $0xb8;
	[tilespmem:$0x1E9F8] =	vst v63  }
0xfd: {  	_ =	swait.ge [sflag:s21], $0x80  }
0xfe: {  	[sflag:s21] =	ssyncset.done $0x0  }
0xff: {  	s14 =	simm.s32 $0x0;
	s15 =	rddreg [dreg:$0xa];
	[sflag:s21] =	ssyncadd.s32 $0xFFFFFF80  }
0x100: {  	[tilespmem:s14], [sflag:$0x5] =	stream.linear.gather [hbm4b:s15+s14], $0x1400, $0x38;
	[tilespmem:$0x1E9F8] =	vst v63  }
0x101: {  	_ =	swait.ge [sflag:s21], $0x1400  }
0x102: {  	[sflag:s21] =	ssyncset.done $0x0  }
0x103: {  	s16 =	rddreg [dreg:$0xb];
	[sflag:s21] =	ssyncadd.s32 $0xFFFFEC00  }
0x104: {  	[tilespmem:s23], [sflag:$0x5] =	stream.linear.gather [hbm4b:s16+s14], $0x1400, $0x38;
	[tilespmem:$0x1E9F8] =	vst v63  }
0x105: {  	_ =	swait.ge [sflag:s21], $0x1400  }
0x106: {  	[sflag:s21] =	ssyncset.done $0x0  }
0x107: {  	[sflag:s21] =	ssyncadd.s32 $0xFFFFEC00  }
0x108: {  	[tilespmem:s20], [sflag:$0x1] =	stream.indirect.gather [hbm4b:s5+s24], $0x80, s14, s24, $0xb8;
	[tilespmem:$0x1E9F8] =	vst v63  }
0x109: {  	_ = 	snop  }
0x10a: {  	[tilespmem:s25], [sflag:$0x3] =	stream.indirect.gather [hbm4b:s6+s24], $0x1, s23, s24, $0xb8;
	[tilespmem:$0x1E9F8] =	vst v63  }
0x10b: {  	s11 =	simm.s32 $0x80  }
0x10c: {  	[tilespmem:s26], [sflag:$0x2] =	stream.indirect.gather [hbm4b:s5+s24], $0x80, s11, s24, $0xb8;
	[tilespmem:$0x1E9F8] =	vst v63  }
0x10d: {  	s13 =	simm.s32 $0x1480  }
0x10e: {  	[tilespmem:s28], [sflag:$0x4] =	stream.indirect.gather [hbm4b:s6+s24], $0x1, s13, s24, $0xb8;
	[tilespmem:$0x1E9F8] =	vst v63  }
0x10f: {  	_ =	swait.ge [sflag:s29], $0x4000  }
0x110: {  	[sflag:s29] =	ssyncset.done $0x0  }
0x111: {  	[sflag:s29] =	ssyncadd.s32 $0xFFFFC000  }
0x112: {  	_ =	swait.ge [sflag:s30], $0x80  }
0x113: {  	[sflag:s30] =	ssyncset.done $0x0  }
0x114: {  	s17 =	simm.s32 $0x1400;
	[sflag:s30] =	ssyncadd.s32 $0xFFFFFF80  }
0x115: {  	[spmem:s2] =	stream.indirect.scatter.add.f32 [tilespmem:s20], [sflag:$0x5], $0x80, s17, s24, $0xb8;
	[tilespmem:$0x1E9F8] =	vst v63  }
0x116: {  	_ =	swait.ge [sflag:s21], $0x4000  }
0x117: {  	[sflag:s21] =	ssyncset.done $0x0  }
0x118: {  	s15 =	simm.s32 $0x0;
	[sflag:s21] =	ssyncadd.s32 $0xFFFFC000  }
0x119: {  	[spmem:s3] =	stream.indirect.scatter.add.f32 [tilespmem:s25], [sflag:$0x5], $0x1, s15, s24, $0xb8;
	[tilespmem:$0x1E9F8] =	vst v63  }
0x11a: {  	_ =	swait.ge [sflag:s21], $0x80  }
0x11b: {  	[sflag:s21] =	ssyncset.done $0x0  }
0x11c: {  	s16 =	simm.s32 $0x100;
	[sflag:s21] =	ssyncadd.s32 $0xFFFFFF80  }
0x11d: {  	[tilespmem:s20], [sflag:$0x1] =	stream.indirect.gather [hbm4b:s5+s24], $0x80, s16, s24, $0xb8;
	[tilespmem:$0x1E9F8] =	vst v63  }
0x11e: {  	s17 =	simm.s32 $0x1500  }
0x11f: {  	[tilespmem:s25], [sflag:$0x3] =	stream.indirect.gather [hbm4b:s6+s24], $0x1, s17, s24, $0xb8;
	[tilespmem:$0x1E9F8] =	vst v63  }
0x120: {  	_ =	swait.ge [sflag:s31], $0x4000  }
0x121: {  	[sflag:s31] =	ssyncset.done $0x0  }
0x122: {  	[sflag:s31] =	ssyncadd.s32 $0xFFFFC000  }
0x123: {  	_ =	swait.ge [sflag:s1], $0x80  }
0x124: {  	[sflag:s1] =	ssyncset.done $0x0  }
0x125: {  	[sflag:s1] =	ssyncadd.s32 $0xFFFFFF80  }
0x126: {  	[spmem:s2] =	stream.indirect.scatter.add.f32 [tilespmem:s26], [sflag:$0x5], $0x80, s13, s24, $0xb8;
	[tilespmem:$0x1E9F8] =	vst v63  }
0x127: {  	_ =	swait.ge [sflag:s21], $0x4000  }
0x128: {  	[sflag:s21] =	ssyncset.done $0x0  }
0x129: {  	[sflag:s21] =	ssyncadd.s32 $0xFFFFC000  }
0x12a: {  	[spmem:s3] =	stream.indirect.scatter.add.f32 [tilespmem:s28], [sflag:$0x5], $0x1, s11, s24, $0xb8;
	[tilespmem:$0x1E9F8] =	vst v63  }
0x12b: {  	_ =	swait.ge [sflag:s21], $0x80  }
0x12c: {  	s16 =	simm.s32 $0x800;
	s11 =	simm.s32 $0x100;
	[sflag:s21] =	ssyncset.done $0x0  }
.LBB2_6:
0x12d: {  	s15 =	sadd.s32 $0x80, s11  }
0x12e: {  	[sflag:s21] =	ssyncadd.s32 $0xFFFFFF80;
	s14 =	smov.u32 s16;
	s13 =	sadd.s32 $0x400, s16  }
0x12f: {  	[tilespmem:s26], [sflag:$0x2] =	stream.indirect.gather [hbm4b:s5+s24], $0x80, s15, s24, $0xb8;
	[tilespmem:$0x1E9F8] =	vst v63  }
0x130: {  	p0 =	sne.s32 s16, $0x4800;
	s16 =	sadd.s32 $0x1480, s11  }
0x131: {  	[tilespmem:s28], [sflag:$0x4] =	stream.indirect.gather [hbm4b:s6+s24], $0x1, s16, s24, $0xb8;
	[tilespmem:$0x1E9F8] =	vst v63  }
0x132: {  	_ =	swait.ge [sflag:s29], $0x4000  }
0x133: {  	[sflag:s29] =	ssyncset.done $0x0  }
0x134: {  	[sflag:s29] =	ssyncadd.s32 $0xFFFFC000  }
0x135: {  	_ =	swait.ge [sflag:s30], $0x80  }
0x136: {  	[sflag:s30] =	ssyncset.done $0x0  }
0x137: {  	s17 =	sadd.s32 $0x1400, s11;
	[sflag:s30] =	ssyncadd.s32 $0xFFFFFF80  }
0x138: {  	[spmem:s2] =	stream.indirect.scatter.add.f32 [tilespmem:s20], [sflag:$0x5], $0x80, s17, s24, $0xb8;
	[tilespmem:$0x1E9F8] =	vst v63  }
0x139: {  	_ =	swait.ge [sflag:s21], $0x4000  }
0x13a: {  	[sflag:s21] =	ssyncset.done $0x0  }
0x13b: {  	[sflag:s21] =	ssyncadd.s32 $0xFFFFC000  }
0x13c: {  	[spmem:s3] =	stream.indirect.scatter.add.f32 [tilespmem:s25], [sflag:$0x5], $0x1, s11, s24, $0xb8;
	[tilespmem:$0x1E9F8] =	vst v63  }
0x13d: {  	_ =	swait.ge [sflag:s21], $0x80  }
0x13e: {  	[sflag:s21] =	ssyncset.done $0x0  }
0x13f: {  	s17 =	sadd.s32 $0x100, s11;
	[sflag:s21] =	ssyncadd.s32 $0xFFFFFF80  }
0x140: {  	[tilespmem:s20], [sflag:$0x1] =	stream.indirect.gather [hbm4b:s5+s24], $0x80, s17, s24, $0xb8;
	[tilespmem:$0x1E9F8] =	vst v63  }
0x141: {  	s11 =	sadd.s32 $0x1500, s11  }
0x142: {  	[tilespmem:s25], [sflag:$0x3] =	stream.indirect.gather [hbm4b:s6+s24], $0x1, s11, s24, $0xb8;
	[tilespmem:$0x1E9F8] =	vst v63  }
0x143: {  	_ =	swait.ge [sflag:s31], $0x4000  }
0x144: {  	[sflag:s31] =	ssyncset.done $0x0  }
0x145: {  	[sflag:s31] =	ssyncadd.s32 $0xFFFFC000  }
0x146: {  	_ =	swait.ge [sflag:s1], $0x80  }
0x147: {  	[sflag:s1] =	ssyncset.done $0x0  }
0x148: {  	[sflag:s1] =	ssyncadd.s32 $0xFFFFFF80  }
0x149: {  	[spmem:s2] =	stream.indirect.scatter.add.f32 [tilespmem:s26], [sflag:$0x5], $0x80, s16, s24, $0xb8;
	[tilespmem:$0x1E9F8] =	vst v63  }
0x14a: {  	_ =	swait.ge [sflag:s21], $0x4000  }
.Ltmp2:
0x14b: {  	[sflag:s21] =	ssyncset.done $0x0;
	(pc) =	sbr.rel @p0 .LBB2_6-.Ltmp2, $4  }
0x14c: {  	[sflag:s21] =	ssyncadd.s32 $0xFFFFC000  }
0x14d: {  	[spmem:s3] =	stream.indirect.scatter.add.f32 [tilespmem:s28], [sflag:$0x5], $0x1, s15, s24, $0xb8;
	[tilespmem:$0x1E9F8] =	vst v63  }
0x14e: {  	_ =	swait.ge [sflag:s21], $0x80  }
0x14f: {  	s11 =	sshra.s32 s14, $0x2;
	s16 =	smov.u32 s13;
	[sflag:s21] =	ssyncset.done $0x0  }
0x150: {  	s13 =	sadd.s32 $0x80, s11;
	[sflag:s21] =	ssyncadd.s32 $0xFFFFFF80  }
0x151: {  	[tilespmem:s26], [sflag:$0x2] =	stream.indirect.gather [hbm4b:s5+s24], $0x80, s13, s24, $0xb8;
	[tilespmem:$0x1E9F8] =	vst v63  }
0x152: {  	s14 =	sadd.s32 $0x1480, s11  }
0x153: {  	[tilespmem:s28], [sflag:$0x4] =	stream.indirect.gather [hbm4b:s6+s24], $0x1, s14, s24, $0xb8;
	[tilespmem:$0x1E9F8] =	vst v63  }
0x154: {  	_ =	swait.ge [sflag:s29], $0x4000  }
0x155: {  	[sflag:s29] =	ssyncset.done $0x0  }
0x156: {  	[sflag:s29] =	ssyncadd.s32 $0xFFFFC000  }
0x157: {  	_ =	swait.ge [sflag:s30], $0x80  }
0x158: {  	[sflag:s30] =	ssyncset.done $0x0  }
0x159: {  	s15 =	sadd.s32 $0x1400, s11;
	[sflag:s30] =	ssyncadd.s32 $0xFFFFFF80  }
0x15a: {  	[spmem:s2] =	stream.indirect.scatter.add.f32 [tilespmem:s20], [sflag:$0x5], $0x80, s15, s24, $0xb8;
	[tilespmem:$0x1E9F8] =	vst v63  }
0x15b: {  	_ =	swait.ge [sflag:s21], $0x4000  }
0x15c: {  	[sflag:s21] =	ssyncset.done $0x0  }
0x15d: {  	[sflag:s21] =	ssyncadd.s32 $0xFFFFC000  }
0x15e: {  	[spmem:s3] =	stream.indirect.scatter.add.f32 [tilespmem:s25], [sflag:$0x5], $0x1, s11, s24, $0xb8;
	[tilespmem:$0x1E9F8] =	vst v63  }
0x15f: {  	_ =	swait.ge [sflag:s21], $0x80  }
0x160: {  	[sflag:s21] =	ssyncset.done $0x0  }
0x161: {  	s16 =	sadd.s32 $0x100, s11;
	[sflag:s21] =	ssyncadd.s32 $0xFFFFFF80  }
0x162: {  	[tilespmem:s20], [sflag:$0x1] =	stream.indirect.gather [hbm4b:s5+s24], $0x80, s16, s24, $0xb8;
	[tilespmem:$0x1E9F8] =	vst v63  }
0x163: {  	s17 =	sadd.s32 $0x1500, s11  }
0x164: {  	[tilespmem:s25], [sflag:$0x3] =	stream.indirect.gather [hbm4b:s6+s24], $0x1, s17, s24, $0xb8;
	[tilespmem:$0x1E9F8] =	vst v63  }
0x165: {  	_ =	swait.ge [sflag:s31], $0x4000  }
0x166: {  	[sflag:s31] =	ssyncset.done $0x0  }
0x167: {  	[sflag:s31] =	ssyncadd.s32 $0xFFFFC000  }
0x168: {  	_ =	swait.ge [sflag:s1], $0x80  }
0x169: {  	[sflag:s1] =	ssyncset.done $0x0  }
0x16a: {  	[sflag:s1] =	ssyncadd.s32 $0xFFFFFF80  }
0x16b: {  	[spmem:s2] =	stream.indirect.scatter.add.f32 [tilespmem:s26], [sflag:$0x5], $0x80, s14, s24, $0xb8;
	[tilespmem:$0x1E9F8] =	vst v63  }
0x16c: {  	_ =	swait.ge [sflag:s21], $0x4000  }
0x16d: {  	[sflag:s21] =	ssyncset.done $0x0  }
0x16e: {  	[sflag:s21] =	ssyncadd.s32 $0xFFFFC000  }
0x16f: {  	[spmem:s3] =	stream.indirect.scatter.add.f32 [tilespmem:s28], [sflag:$0x5], $0x1, s13, s24, $0xb8;
	[tilespmem:$0x1E9F8] =	vst v63  }
0x170: {  	_ =	swait.ge [sflag:s21], $0x80  }
0x171: {  	[sflag:s21] =	ssyncset.done $0x0  }
0x172: {  	[sflag:s21] =	ssyncadd.s32 $0xFFFFFF80  }
0x173: {  	[tilespmem:s26], [sflag:$0x2] =	stream.indirect.gather [hbm4b:s5+s24], $0x80, s4, s24, $0xb8;
	[tilespmem:$0x1E9F8] =	vst v63  }
0x174: {  	_ = 	snop  }
0x175: {  	[tilespmem:s28], [sflag:$0x4] =	stream.indirect.gather [hbm4b:s6+s24], $0x1, s0, s24, $0xb8;
	[tilespmem:$0x1E9F8] =	vst v63  }
0x176: {  	_ =	swait.ge [sflag:s29], $0x4000  }
0x177: {  	[sflag:s29] =	ssyncset.done $0x0  }
0x178: {  	[sflag:s29] =	ssyncadd.s32 $0xFFFFC000  }
0x179: {  	_ =	swait.ge [sflag:s30], $0x80  }
0x17a: {  	[sflag:s30] =	ssyncset.done $0x0  }
0x17b: {  	[sflag:s30] =	ssyncadd.s32 $0xFFFFFF80  }
0x17c: {  	[spmem:s2] =	stream.indirect.scatter.add.f32 [tilespmem:s20], [sflag:$0x5], $0x80, s8, s24, $0xb8;
	[tilespmem:$0x1E9F8] =	vst v63  }
0x17d: {  	_ =	swait.ge [sflag:s21], $0x4000  }
0x17e: {  	[sflag:s21] =	ssyncset.done $0x0  }
0x17f: {  	[sflag:s21] =	ssyncadd.s32 $0xFFFFC000  }
0x180: {  	[spmem:s3] =	stream.indirect.scatter.add.f32 [tilespmem:s25], [sflag:$0x5], $0x1, s9, s24, $0xb8;
	[tilespmem:$0x1E9F8] =	vst v63  }
0x181: {  	_ =	swait.ge [sflag:s21], $0x80  }
0x182: {  	[sflag:s21] =	ssyncset.done $0x0  }
0x183: {  	[sflag:s21] =	ssyncadd.s32 $0xFFFFFF80  }
0x184: {  	_ =	swait.ge [sflag:s31], $0x4000  }
0x185: {  	[sflag:s31] =	ssyncset.done $0x0  }
0x186: {  	[sflag:s31] =	ssyncadd.s32 $0xFFFFC000  }
0x187: {  	_ =	swait.ge [sflag:s1], $0x80  }
0x188: {  	[sflag:s1] =	ssyncset.done $0x0  }
0x189: {  	[sflag:s1] =	ssyncadd.s32 $0xFFFFFF80  }
0x18a: {  	[spmem:s2] =	stream.indirect.scatter.add.f32 [tilespmem:s26], [sflag:$0x5], $0x80, s0, s24, $0xb8;
	[tilespmem:$0x1E9F8] =	vst v63  }
0x18b: {  	_ =	swait.ge [sflag:s21], $0x4000  }
0x18c: {  	[sflag:s21] =	ssyncset.done $0x0  }
0x18d: {  	[sflag:s21] =	ssyncadd.s32 $0xFFFFC000  }
0x18e: {  	[spmem:s3] =	stream.indirect.scatter.add.f32 [tilespmem:s28], [sflag:$0x5], $0x1, s4, s24, $0xb8;
	[tilespmem:$0x1E9F8] =	vst v63  }
0x18f: {  	_ =	swait.ge [sflag:s21], $0x80  }
0x190: {  	[sflag:s21] =	ssyncset.done $0x0  }
0x191: {  	s14 =	stileid.u32;
	[sflag:s21] =	ssyncadd.s32 $0xFFFFFF80  }
0x192: {  	s11 =	sshll.u32 s14, $0x6;
	[bflag:$0x0] =	sbarrier.arrive $0xFFFF  }
0x193: {  	s15 =	sshrl.u32 s7, $0x3;
	s11 =	sor.u32 $0x1C05, s11;
	s16 =	rddreg [dreg:$0xc]  }
0x194: {  	[hbm:s16], [sflag:s11] =	dma.local [spmem:s15], $0x2780  }
0x195: {  	_ =	swait.ge [sflag:s21], $0x2780  }
0x196: {  	[sflag:s21] =	ssyncset.done $0x0  }
0x197: {  	[sflag:s21] =	ssyncadd.s32 $0xFFFFD880  }
0x198: {  	[tilespmem:s22], [sflag:$0x5] =	stream.linear.gather [spmem:s12], $0x278, $0x38;
	[tilespmem:$0x1E9F8] =	vst v63  }
0x199: {  	s10 =	sadd.s32 $0x1, s10;
	_ =	swait.ge [sflag:s21], $0x278  }
0x19a: {  	p0 =	sne.s32 s10, s19;
	[sflag:s21] =	ssyncset.done $0x0  }
.Ltmp3:
0x19b: {  	s17 =	simm.s32 $0x0;
	[sflag:s21] =	ssyncadd.s32 $0xFFFFFD88;
	(pc) =	sbr.rel @p0 .LBB2_1-.Ltmp3, $4  }
0x19c: {  	[hbm4b:s18+s17] =	stream.linear.scatter [tilespmem:s22], [sflag:$0x5], $0x278, $0x38;
	[tilespmem:$0x1E9F8] =	vst v63  }
0x19d: {  	_ =	swait.ge [sflag:s21], $0x278  }
0x19e: {  	[sflag:s21] =	ssyncset.done $0x0  }
0x19f: {  	[sflag:s21] =	ssyncadd.s32 $0xFFFFFD88  }
0x1a0: {  	_ =	sfence.sel $0x180000  }
0x1a1: {  	[bflag:$0x0] =	sbarrier.arrive $0xFFFF  }
0x1a2: {  	_ =	strace $0x9000004A  }
0x1a3: {  	s0 =	stileid.u32;
	[bflag:$0x2] =	sbarrier.arrive $0xFFFF  }
0x1a4: {  	p0 =	sne.s32 s0, $0x0;
	s0 =	rddreg [dreg:$0x3]  }
0x1a5: {  	s0 =	sadd.s32 @!p0 $0x100000, s0  }
0x1a6: {  	[sflag:s0] =	ssyncadd.tile.s32 @!p0 $0x1;
	_ =	shalt  }
.Lfunc_end2:
_tile_overlayer_lowered:
.L_overlay_start_2:
0x1a7: {  	(tag) =	ssettag $0x2  }
0x1a8: {  	s0 =	rddreg [dreg:$0x0];
	s2 =	stileid.u32  }
0x1a9: {  	s1 =	rddreg [dreg:$0x1];
	p0 =	sne.s32 s2, $0x0  }
0x1aa: {  	s3 =	rddreg [dreg:$0x2];
	[bflag:$0x3] =	sbarrier.arrive $0xFFFF;
	s2 =	simm.s32 @!p0 $0x1C05  }
0x1ab: {  	[timem:s3], [sflag:s2] =	dma.local @!p0 [hbm:s0], s1  }
0x1ac: {  	s0 =	simm.s32 @!p0 $0x5  }
0x1ad: {  	_ =	swait.ge @!p0 [sflag:s0], s1  }
0x1ae: {  	s1 =	ssub.s32 @!p0 $0x0, s1;
	[sflag:s0] =	ssyncset.done @!p0 $0x0  }
0x1af: {  	[sflag:s0] =	ssyncadd.s32 @!p0 s1  }
0x1b0: {  	[bflag:$0x3] =	sbarrier.arrive $0xFFFF  }
0x1b1: {  	_ =	shalt  }

</sc_bundles>
